<compile_context>
chip_gen: v7x
topology: tpu7x:2x2x1
jax: 0.10.2.dev20260603
libtpu: 0.0.44.dev20260713+nightly
codegen_flags: <defaults>
</compile_context>

<pallas_src>
import jax
import jax.numpy as jnp
from jax import lax
from jax.experimental import pallas as pl
from jax.experimental.pallas import tpu as pltpu
from jax.experimental.pallas import tpu_sc as plsc

N = 1024
NE = 3
C = 2
E = 32768
P = 4096
DH = 128
DS = C * DH
RB = 256

NSUB = 16
ECH = E // NSUB
ZCH = 65664
ACC = ZCH * NSUB
MCH = N * N // NSUB


def _sc_scatter_body(r_hbm, c_hbm, v_hbm, zeros_hbm, a_out, cs_out,
                     acc, rbuf, cbuf, vbuf, linbuf, csbuf):
    cid = lax.axis_index("c")
    sid = lax.axis_index("s")
    ebase = cid * (NE * E)
    abase = cid * (NE * N * N)
    cbase = cid * (NE * N)
    for j in range(NE):
        pltpu.sync_copy(zeros_hbm, acc.at[pl.ds(sid * ZCH, ZCH)])
        base = ebase + j * E + sid * ECH
        pltpu.sync_copy(r_hbm.at[pl.ds(base, ECH)], rbuf)
        pltpu.sync_copy(c_hbm.at[pl.ds(base, ECH)], cbuf)
        pltpu.sync_copy(v_hbm.at[pl.ds(base, ECH)], vbuf)

        def body(i, _):
            o = i * 16
            r = rbuf[pl.ds(o, 16)]
            c = cbuf[pl.ds(o, 16)]
            linbuf[pl.ds(o, 16)] = ((c >> 7) << 17) + (r << 7) + (c & 127)
            csbuf[pl.ds(o, 16)] = c + N * N
            return 0

        lax.fori_loop(0, ECH // 16, body, 0)
        plsc.subcore_barrier()
        pltpu.sync_copy(vbuf, acc.at[linbuf], add=True)
        pltpu.sync_copy(vbuf, acc.at[csbuf], add=True)
        plsc.subcore_barrier()
        pltpu.sync_copy(acc.at[pl.ds(sid * MCH, MCH)],
                        a_out.at[pl.ds(abase + j * N * N + sid * MCH, MCH)])

        @pl.when(sid == 0)
        def _():
            pltpu.sync_copy(acc.at[pl.ds(N * N, N)],
                            cs_out.at[pl.ds(cbase + j * N, N)])

        plsc.subcore_barrier()


@jax.jit
def _sc_scatter(rows, cols, vals):
    zeros = jnp.zeros((ZCH,), jnp.float32)
    mesh = plsc.VectorSubcoreMesh(core_axis_name="c", subcore_axis_name="s")
    f = pl.kernel(
        _sc_scatter_body,
        mesh=mesh,
        out_type=[
            jax.ShapeDtypeStruct((2 * NE * N * N,), jnp.float32),
            jax.ShapeDtypeStruct((2 * NE * N,), jnp.float32),
        ],
        scratch_types=[
            pltpu.VMEM_SHARED((ACC,), jnp.float32),
            pltpu.VMEM((ECH,), jnp.int32),
            pltpu.VMEM((ECH,), jnp.int32),
            pltpu.VMEM((ECH,), jnp.float32),
            pltpu.VMEM((ECH,), jnp.int32),
            pltpu.VMEM((ECH,), jnp.int32),
        ],
    )
    return f(rows, cols, vals, zeros)


GCH = (2 * P) // (2 * NSUB)


def _sc_gather_body(tab, idx, out, ibuf, rows, sem):
    cid = lax.axis_index("c")
    sid = lax.axis_index("s")
    base = (cid * NSUB + sid) * GCH
    pltpu.sync_copy(idx.at[pl.ds(base, GCH)], ibuf)
    pltpu.async_copy(tab.at[ibuf], rows, sem).wait()
    pltpu.sync_copy(rows, out.at[pl.ds(base, GCH)])


@jax.jit
def _sc_gather(table, catidx):
    mesh = plsc.VectorSubcoreMesh(core_axis_name="c", subcore_axis_name="s")
    f = pl.kernel(
        _sc_gather_body,
        mesh=mesh,
        out_type=jax.ShapeDtypeStruct((2 * P, DS), jnp.float32),
        scratch_types=[
            pltpu.VMEM((GCH,), jnp.int32),
            pltpu.VMEM((GCH, DS), jnp.float32),
            pltpu.SemaphoreType.DMA,
        ],
    )
    return f(table, catidx)


NIO = N // RB
NG = RB // DH


def _main_body(a_ref, cs_ref, f1_ref, f2c_ref, s1_ref, s2_ref, xt_ref,
               wt_ref, b_ref, out_ref, racc, vblk, dinv, zt, t1t, sacc):
    p = pl.program_id(1)
    io = pl.program_id(2)
    j = pl.program_id(3)

    @pl.when((p == 0) & (io == 0) & (j == 0))
    def _():
        racc[...] = jnp.dot(f1_ref[0], cs_ref[0],
                            preferred_element_type=jnp.float32)

    @pl.when(p == 0)
    def _():
        @pl.when(j == 0)
        def _():
            vblk[...] = jnp.zeros_like(vblk)

        res = jnp.concatenate(
            [jnp.dot(racc[...], a_ref[g], preferred_element_type=jnp.float32)
             for g in range(NG)], axis=1)
        vblk[...] += res * f2c_ref[0, 0]

        @pl.when(j == NE - 1)
        def _():
            deg = 1.0 + vblk[...]
            dinvb = jnp.where(deg > 0.0, lax.rsqrt(deg), 0.0)
            dinv[io] = dinvb
            yt = jnp.dot(wt_ref[0], xt_ref[0],
                         preferred_element_type=jnp.float32)
            zt[io] = jnp.concatenate(
                [dinvb[0:1, :] * yt, dinvb[1:2, :] * yt], axis=0)

    def contract(scr):
        outs = []
        for g in range(NG):
            acc = None
            for kb in range(NIO):
                part = jnp.dot(scr[kb],
                               a_ref[g, kb * RB:(kb + 1) * RB, :],
                               preferred_element_type=jnp.float32)
                acc = part if acc is None else acc + part
            outs.append(acc)
        return jnp.concatenate(outs, axis=1)

    @pl.when(p == 1)
    def _():
        @pl.when(j == 0)
        def _():
            sacc[...] = jnp.zeros_like(sacc)

        sacc[...] += contract(zt) * s1_ref[0, 0]

        @pl.when(j == NE - 1)
        def _():
            t1t[io] = sacc[...]

    @pl.when(p == 2)
    def _():
        @pl.when(j == 0)
        def _():
            sacc[...] = jnp.zeros_like(sacc)

        sacc[...] += contract(t1t) * s2_ref[0, 0]

        @pl.when(j == NE - 1)
        def _():
            dinvb = dinv[io]
            dcols = jnp.concatenate(
                [jnp.broadcast_to(dinvb[0:1, :], (DH, RB)),
                 jnp.broadcast_to(dinvb[1:2, :], (DH, RB))], axis=0)
            res = jnp.maximum(
                dcols * (sacc[...] + zt[io]) + b_ref[0], 0.0)
            out_ref[0] = res.T


def _main(Aall, csall, f1all, f2call, s1all, s2all, Xtall, Wtall, ball):
    grid = (2, 3, NIO, NE)
    return pl.pallas_call(
        _main_body,
        grid=grid,
        in_specs=[
            pl.BlockSpec((NG, N, DH),
                         lambda s, p, io, j: ((s * NE + j) * NIO + io, 0, 0)),
            pl.BlockSpec((1, NE, N), lambda s, p, io, j: (s, 0, 0)),
            pl.BlockSpec((1, C, NE), lambda s, p, io, j: (s, 0, 0)),
            pl.BlockSpec((1, 1, C, 1), lambda s, p, io, j: (s, j, 0, 0)),
            pl.BlockSpec((1, 1, DS, 1), lambda s, p, io, j: (s, j, 0, 0)),
            pl.BlockSpec((1, 1, DS, 1), lambda s, p, io, j: (s, j, 0, 0)),
            pl.BlockSpec((1, DS, RB), lambda s, p, io, j: (s, 0, io)),
            pl.BlockSpec((1, DH, DS), lambda s, p, io, j: (s, 0, 0)),
            pl.BlockSpec((1, DS, 1), lambda s, p, io, j: (s, 0, 0)),
        ],
        out_specs=pl.BlockSpec((1, RB, DS), lambda s, p, io, j: (s, io, 0)),
        out_shape=jax.ShapeDtypeStruct((2, N, DS), jnp.float32),
        scratch_shapes=[
            pltpu.VMEM((C, N), jnp.float32),
            pltpu.VMEM((C, RB), jnp.float32),
            pltpu.VMEM((NIO, C, RB), jnp.float32),
            pltpu.VMEM((NIO, DS, RB), jnp.float32),
            pltpu.VMEM((NIO, DS, RB), jnp.float32),
            pltpu.VMEM((DS, RB), jnp.float32),
        ],
    )(Aall, csall, f1all, f2call, s1all, s2all, Xtall, Wtall, ball)


MB = 1024


def _mlp_body(bu_ref, bv_ref, t_ref, m1a_ref, m1b_ref, b1_ref, m2_ref,
              b2_ref, m3_ref, b3_ref, bp_ref, loss_ref, lacc):
    i = pl.program_id(0)

    @pl.when(i == 0)
    def _():
        lacc[...] = jnp.zeros_like(lacc)

    h = jnp.dot(bu_ref[...], m1a_ref[...], preferred_element_type=jnp.float32)
    h += jnp.dot(bv_ref[...], m1b_ref[...], preferred_element_type=jnp.float32)
    h = jnp.maximum(h + b1_ref[...], 0.0)
    h = jnp.maximum(jnp.dot(h, m2_ref[...], preferred_element_type=jnp.float32)
                    + b2_ref[...], 0.0)
    logits = jnp.dot(h, m3_ref[...], preferred_element_type=jnp.float32) \
        + b3_ref[...]
    m = jnp.max(logits, axis=-1, keepdims=True)
    e = jnp.exp(logits - m)
    bp = e / jnp.sum(e, axis=-1, keepdims=True)
    bp_ref[...] = bp

    mm = jnp.max(bp, axis=-1, keepdims=True)
    lse = mm + jnp.log(jnp.sum(jnp.exp(bp - mm), axis=-1, keepdims=True))
    t = t_ref[...]
    bpt = bp[:, 0:1] * (1.0 - t) + bp[:, 1:2] * t
    lacc[...] += jnp.sum(lse - bpt, axis=0, keepdims=True)

    @pl.when(i == pl.num_programs(0) - 1)
    def _():
        loss_ref[...] = lacc[...] * (1.0 / P)


def _mlp(Bu, Bv, targetf, M1a, M1b, b1, M2, b2, M3, b3):
    grid = (P // MB,)
    return pl.pallas_call(
        _mlp_body,
        grid=grid,
        in_specs=[
            pl.BlockSpec((MB, DS), lambda i: (i, 0)),
            pl.BlockSpec((MB, DS), lambda i: (i, 0)),
            pl.BlockSpec((MB, 1), lambda i: (i, 0)),
            pl.BlockSpec((DS, DS), lambda i: (0, 0)),
            pl.BlockSpec((DS, DS), lambda i: (0, 0)),
            pl.BlockSpec((1, DS), lambda i: (0, 0)),
            pl.BlockSpec((DS, DS // 2), lambda i: (0, 0)),
            pl.BlockSpec((1, DS // 2), lambda i: (0, 0)),
            pl.BlockSpec((DS // 2, 2), lambda i: (0, 0)),
            pl.BlockSpec((1, 2), lambda i: (0, 0)),
        ],
        out_specs=[
            pl.BlockSpec((MB, 2), lambda i: (i, 0)),
            pl.BlockSpec((1, 1), lambda i: (0, 0)),
        ],
        out_shape=[
            jax.ShapeDtypeStruct((P, 2), jnp.float32),
            jax.ShapeDtypeStruct((1, 1), jnp.float32),
        ],
        scratch_shapes=[pltpu.VMEM((1, 1), jnp.float32)],
    )(Bu, Bv, targetf, M1a, M1b, b1, M2, b2, M3, b3)


def kernel(edge_index_u, edge_value_u, X_u, edge_index_v, edge_value_v, X_v,
           index_list, Wgt1_u, Wgt2_u, Wgt1_v, Wgt2_v, Wg_u, bg_u, Wg_v, bg_v,
           M1, b1, M2, b2, M3, b3):
    rows = jnp.concatenate([edge_index_u[:, 0, :].reshape(-1),
                            edge_index_v[:, 0, :].reshape(-1)]) \
        .astype(jnp.int32)
    cols = jnp.concatenate([edge_index_u[:, 1, :].reshape(-1),
                            edge_index_v[:, 1, :].reshape(-1)]) \
        .astype(jnp.int32)
    vals = jnp.concatenate([edge_value_u.reshape(-1),
                            edge_value_v.reshape(-1)])
    Afall, csfall = _sc_scatter(rows, cols, vals)
    Aall = Afall.reshape(2 * NE * (N // DH), N, DH)
    csall = csfall.reshape(2, NE, N)

    f1u = jax.nn.softmax(Wgt1_u, axis=1)
    f2u = jax.nn.softmax(Wgt2_u, axis=1)
    f1v = jax.nn.softmax(Wgt1_v, axis=1)
    f2v = jax.nn.softmax(Wgt2_v, axis=1)
    f1all = jnp.stack([f1u, f1v])
    f2call = jnp.stack([f2u.T, f2v.T])[..., None]
    s1all = jnp.repeat(jnp.stack([f1u.T, f1v.T]), DH, axis=2)[..., None]
    s2all = jnp.repeat(jnp.stack([f2u.T, f2v.T]), DH, axis=2)[..., None]
    Xtall = jnp.stack([X_u.T, X_v.T])
    Wtall = jnp.stack([Wg_u.T, Wg_v.T])
    ball = jnp.stack([jnp.tile(bg_u, (2,))[:, None],
                      jnp.tile(bg_v, (2,))[:, None]])

    Xout = _main(Aall, csall, f1all, f2call, s1all, s2all, Xtall, Wtall,
                 ball)
    Xu_ = Xout[0]
    Xv_ = Xout[1]

    u_idx = index_list[:, 0].astype(jnp.int32)
    v_idx = index_list[:, 1].astype(jnp.int32)
    target = index_list[:, 2]
    targetf = target.astype(jnp.float32)

    table = Xout.reshape(2 * N, DS)
    catidx = jnp.concatenate([u_idx, v_idx + N])
    Bcat = _sc_gather(table, catidx)
    Bu = Bcat[:P]
    Bv = Bcat[P:]

    Bp, loss2 = _mlp(Bu, Bv, targetf[:, None], M1[:DS], M1[DS:], b1[None, :],
                     M2, b2[None, :], M3, b3[None, :])
    loss = loss2.reshape(())
    return (Xu_, Xv_, f1u, f2u, f1v, f2v, loss, Bp, targetf)

# --- scband reference (transcript-rebuilt; emitter-appended) ---
"""Pipeline reference for scband-gtn-27908697489426 (READ-ONLY COPY).

The authoritative reference and input builder live on the scoring server;
editing this copy changes nothing except your own understanding.
"""

import jax, jax.numpy as jnp
import numpy as np

NU = 1024
NV = 1024
NE = 3
C = 2
U_IN = 256
U_OUT = 128
V_IN = 256
V_OUT = 128
EU = 32768
EV = 32768
P = 4096


def dense_adj(edge_index, edge_value, n):
    # concat + coalesce over edge types == weighted sum of dense per-type adjacencies
    mats = []
    for j in range(edge_index.shape[0]):
        mats.append(jnp.zeros((n, n), dtype=edge_value.dtype).at[edge_index[j, 0], edge_index[j, 1]].add(edge_value[j]))
    return jnp.stack(mats)


def gtconv(A_dense, weight):
    # filter = softmax(weight, dim=1); channel i adjacency = sum_j filter[i, j] * A_j
    filt = jax.nn.softmax(weight, axis=1)
    return jnp.tensordot(filt, A_dense, axes=1)


def gtlayer(A_dense, w1, w2):
    RA = gtconv(A_dense, w1)
    RB = gtconv(A_dense, w2)
    # spspmm per channel, done densely
    H = jnp.einsum('cij,cjk->cik', RA, RB)
    Ws = (jax.lax.stop_gradient(jax.nn.softmax(w1, axis=1)), jax.lax.stop_gradient(jax.nn.softmax(w2, axis=1)))
    return H, Ws


def gcn(x, A, W, b):
    # PyG GCNConv(normalize=True): add self loops (weight 1), sym-normalize, propagate src->dst
    n = A.shape[0]
    As = A + jnp.eye(n, dtype=A.dtype)
    deg = As.sum(axis=0)
    dinv = jnp.where(deg > 0, deg ** (-0.5), 0.0)
    M = dinv[:, None] * As * dinv[None, :]
    return M.T @ (x @ W) + b


def mlp(x, M1, b1, M2, b2, M3, b3):
    h = jax.nn.relu(x @ M1 + b1)
    h = jax.nn.relu(h @ M2 + b2)
    return jax.nn.softmax(h @ M3 + b3, axis=-1)


def setup_inputs(seed: int = 0):
    key = jax.random.key(seed)
    ks = jax.random.split(key, 24)
    edge_index_u = jax.random.randint(ks[0], (NE, 2, EU), 0, NU)
    edge_value_u = jax.random.uniform(ks[1], (NE, EU), dtype=jnp.float32)
    X_u = jax.random.normal(ks[2], (NU, U_IN), dtype=jnp.float32)
    edge_index_v = jax.random.randint(ks[3], (NE, 2, EV), 0, NV)
    edge_value_v = jax.random.uniform(ks[4], (NE, EV), dtype=jnp.float32)
    X_v = jax.random.normal(ks[5], (NV, V_IN), dtype=jnp.float32)
    iu = jax.random.randint(ks[6], (P,), 0, NU)
    iv = jax.random.randint(ks[7], (P,), 0, NV)
    lb = jax.random.randint(ks[8], (P,), 0, 2)
    index_list = jnp.stack([iu, iv, lb], axis=1)
    # GTConv weights: torch init normal_(w, 0.01) -> mean 0.01, std 1
    Wgt1_u = jax.random.normal(ks[9], (C, NE), dtype=jnp.float32) + 0.01
    Wgt2_u = jax.random.normal(ks[10], (C, NE), dtype=jnp.float32) + 0.01
    Wgt1_v = jax.random.normal(ks[11], (C, NE), dtype=jnp.float32) + 0.01
    Wgt2_v = jax.random.normal(ks[12], (C, NE), dtype=jnp.float32) + 0.01
    Wg_u = jax.random.normal(ks[13], (U_IN, U_OUT), dtype=jnp.float32) * (1.0 / np.sqrt(U_IN))
    bg_u = jnp.zeros((U_OUT,), dtype=jnp.float32)
    Wg_v = jax.random.normal(ks[14], (V_IN, V_OUT), dtype=jnp.float32) * (1.0 / np.sqrt(V_IN))
    bg_v = jnp.zeros((V_OUT,), dtype=jnp.float32)
    D0 = (U_OUT + V_OUT) * C
    M1 = jax.random.normal(ks[15], (D0, D0 // 2), dtype=jnp.float32) * (1.0 / np.sqrt(D0))
    b1 = jnp.zeros((D0 // 2,), dtype=jnp.float32)
    M2 = jax.random.normal(ks[16], (D0 // 2, D0 // 4), dtype=jnp.float32) * (1.0 / np.sqrt(D0 // 2))
    b2 = jnp.zeros((D0 // 4,), dtype=jnp.float32)
    M3 = jax.random.normal(ks[17], (D0 // 4, 2), dtype=jnp.float32) * (1.0 / np.sqrt(D0 // 4))
    b3 = jnp.zeros((2,), dtype=jnp.float32)
    return {"edge_index_u": edge_index_u, "edge_value_u": edge_value_u, "X_u": X_u,
            "edge_index_v": edge_index_v, "edge_value_v": edge_value_v, "X_v": X_v,
            "index_list": index_list,
            "Wgt1_u": Wgt1_u, "Wgt2_u": Wgt2_u, "Wgt1_v": Wgt1_v, "Wgt2_v": Wgt2_v,
            "Wg_u": Wg_u, "bg_u": bg_u, "Wg_v": Wg_v, "bg_v": bg_v,
            "M1": M1, "b1": b1, "M2": M2, "b2": b2, "M3": M3, "b3": b3}


def reference(edge_index_u, edge_value_u, X_u, edge_index_v, edge_value_v, X_v, index_list,
              Wgt1_u, Wgt2_u, Wgt1_v, Wgt2_v, Wg_u, bg_u, Wg_v, bg_v,
              M1, b1, M2, b2, M3, b3):
    Au = dense_adj(edge_index_u, edge_value_u, NU)
    Hu, Wsu = gtlayer(Au, Wgt1_u, Wgt2_u)
    Xu_ = jnp.concatenate([jax.nn.relu(gcn(X_u, Hu[i], Wg_u, bg_u)) for i in range(C)], axis=1)
    Av = dense_adj(edge_index_v, edge_value_v, NV)
    Hv, Wsv = gtlayer(Av, Wgt1_v, Wgt2_v)
    Xv_ = jnp.concatenate([jax.nn.relu(gcn(X_v, Hv[i], Wg_v, bg_v)) for i in range(C)], axis=1)
    u_idx = index_list[:, 0]
    v_idx = index_list[:, 1]
    target = index_list[:, 2]
    Bf = jnp.concatenate([Xu_[u_idx], Xv_[v_idx]], axis=1)
    Bp = mlp(Bf, M1, b1, M2, b2, M3, b3)
    # nn.CrossEntropyLoss applied to already-softmaxed B (faithful to the torch code)
    logp = jax.nn.log_softmax(Bp, axis=-1)
    loss = -jnp.mean(jnp.take_along_axis(logp, target[:, None], axis=1))
    return (Xu_, Xv_, Wsu[0], Wsu[1], Wsv[0], Wsv[1], loss, Bp, target.astype(jnp.float32))

if __name__ == "__main__":
    import jax
    _d = setup_inputs()
    print(jax.jit(kernel)(*tuple(_d.values())))

</pallas_src>

<mosaic_0001>
#map = affine_map<(d0, d1) -> (0)>
module attributes {stable_mosaic.version = 14 : i64} {
  func.func @_sc_scatter_body(%arg0: i32, %arg1: i32, %arg2: memref<196608xi32, #tpu.memory_space<hbm>>, %arg3: memref<196608xi32, #tpu.memory_space<hbm>>, %arg4: memref<196608xf32, #tpu.memory_space<hbm>>, %arg5: memref<65664xf32, #tpu.memory_space<hbm>>, %arg6: memref<6291456xf32, #tpu.memory_space<hbm>>, %arg7: memref<6144xf32, #tpu.memory_space<hbm>>, %arg8: memref<1050624xf32, #tpu.memory_space<vmem_shared>>, %arg9: memref<2048xi32, #tpu.memory_space<vmem>>, %arg10: memref<2048xi32, #tpu.memory_space<vmem>>, %arg11: memref<2048xf32, #tpu.memory_space<vmem>>, %arg12: memref<2048xi32, #tpu.memory_space<vmem>>, %arg13: memref<2048xi32, #tpu.memory_space<vmem>>) attributes {dimension_semantics = [#tpu.dimension_semantics<core_parallel>, #tpu.dimension_semantics<subcore_parallel>], iteration_bounds = array<i64: 2, 16>, scalar_prefetch = 0 : i64, scratch_operands = 6 : i64, tpu.core_type = #tpu.core_type<sc_vector_subcore>, window_params = [{transform_indices = #map}, {transform_indices = #map}, {transform_indices = #map}, {transform_indices = #map}, {transform_indices = #map}, {transform_indices = #map}]} {
    %mul3A = arith.constant 98304 : i32
    %mul3A_0 = arith.muli %arg0, %mul3A : i32
    %mul3A_1 = arith.constant 3145728 : i32
    %mul3A_2 = arith.muli %arg0, %mul3A_1 : i32
    %mul3A_3 = arith.constant 3072 : i32
    %mul3A_4 = arith.muli %arg0, %mul3A_3 : i32
    %mul3A_5 = arith.constant 65664 : i32
    %mul3A_6 = arith.muli %arg1, %mul3A_5 : i32
    "tpu.region"() ({
      %run_scoped3A = tpu.sem_alloc : memref<!tpu.dma_semaphore, #tpu.memory_space<semaphore_mem>>
      %dma_start3A = tpu.memref_slice %arg8[%mul3A_6] : memref<1050624xf32, #tpu.memory_space<vmem_shared>> -> memref<65664xf32, #tpu.memory_space<vmem_shared>>
      tpu.enqueue_dma source(%arg5 : memref<65664xf32, #tpu.memory_space<hbm>>) target(%dma_start3A : memref<65664xf32, #tpu.memory_space<vmem_shared>>) target_semaphore(%run_scoped3A : memref<!tpu.dma_semaphore, #tpu.memory_space<semaphore_mem>>)
      %dma_wait3A = tpu.memref_slice %arg8[%mul3A_6] : memref<1050624xf32, #tpu.memory_space<vmem_shared>> -> memref<65664xf32, #tpu.memory_space<vmem_shared>>
      tpu.wait_dma2 semaphore(%run_scoped3A : memref<!tpu.dma_semaphore, #tpu.memory_space<semaphore_mem>>) src(%arg5 : memref<65664xf32, #tpu.memory_space<hbm>>) dst(%dma_wait3A : memref<65664xf32, #tpu.memory_space<vmem_shared>>)
      tpu.yield
    }) : () -> ()
    %add3A = arith.constant 0 : i32
    %add3A_7 = arith.addi %mul3A_0, %add3A : i32
    %mul3A_8 = arith.constant 2048 : i32
    %mul3A_9 = arith.muli %arg1, %mul3A_8 : i32
    %add3A_10 = arith.addi %add3A_7, %mul3A_9 : i32
    "tpu.region"() ({
      %run_scoped3A = tpu.sem_alloc : memref<!tpu.dma_semaphore, #tpu.memory_space<semaphore_mem>>
      %dma_start3A = tpu.memref_slice %arg2[%add3A_10] : memref<196608xi32, #tpu.memory_space<hbm>> -> memref<2048xi32, #tpu.memory_space<hbm>>
      %dma_start3A_86 = tpu.memref_slice %arg2[%add3A_10] : memref<196608xi32, #tpu.memory_space<hbm>> -> memref<2048xi32, #tpu.memory_space<hbm>>
      tpu.enqueue_dma source(%dma_start3A_86 : memref<2048xi32, #tpu.memory_space<hbm>>) target(%arg9 : memref<2048xi32, #tpu.memory_space<vmem>>) target_semaphore(%run_scoped3A : memref<!tpu.dma_semaphore, #tpu.memory_space<semaphore_mem>>)
      %dma_wait3A = tpu.memref_slice %arg2[%add3A_10] : memref<196608xi32, #tpu.memory_space<hbm>> -> memref<2048xi32, #tpu.memory_space<hbm>>
      %dma_wait3A_87 = tpu.memref_slice %arg2[%add3A_10] : memref<196608xi32, #tpu.memory_space<hbm>> -> memref<2048xi32, #tpu.memory_space<hbm>>
      tpu.wait_dma2 semaphore(%run_scoped3A : memref<!tpu.dma_semaphore, #tpu.memory_space<semaphore_mem>>) src(%dma_wait3A_87 : memref<2048xi32, #tpu.memory_space<hbm>>) dst(%arg9 : memref<2048xi32, #tpu.memory_space<vmem>>)
      tpu.yield
    }) : () -> ()
    "tpu.region"() ({
      %run_scoped3A = tpu.sem_alloc : memref<!tpu.dma_semaphore, #tpu.memory_space<semaphore_mem>>
      %dma_start3A = tpu.memref_slice %arg3[%add3A_10] : memref<196608xi32, #tpu.memory_space<hbm>> -> memref<2048xi32, #tpu.memory_space<hbm>>
      %dma_start3A_86 = tpu.memref_slice %arg3[%add3A_10] : memref<196608xi32, #tpu.memory_space<hbm>> -> memref<2048xi32, #tpu.memory_space<hbm>>
      tpu.enqueue_dma source(%dma_start3A_86 : memref<2048xi32, #tpu.memory_space<hbm>>) target(%arg10 : memref<2048xi32, #tpu.memory_space<vmem>>) target_semaphore(%run_scoped3A : memref<!tpu.dma_semaphore, #tpu.memory_space<semaphore_mem>>)
      %dma_wait3A = tpu.memref_slice %arg3[%add3A_10] : memref<196608xi32, #tpu.memory_space<hbm>> -> memref<2048xi32, #tpu.memory_space<hbm>>
      %dma_wait3A_87 = tpu.memref_slice %arg3[%add3A_10] : memref<196608xi32, #tpu.memory_space<hbm>> -> memref<2048xi32, #tpu.memory_space<hbm>>
      tpu.wait_dma2 semaphore(%run_scoped3A : memref<!tpu.dma_semaphore, #tpu.memory_space<semaphore_mem>>) src(%dma_wait3A_87 : memref<2048xi32, #tpu.memory_space<hbm>>) dst(%arg10 : memref<2048xi32, #tpu.memory_space<vmem>>)
      tpu.yield
    }) : () -> ()
    "tpu.region"() ({
      %run_scoped3A = tpu.sem_alloc : memref<!tpu.dma_semaphore, #tpu.memory_space<semaphore_mem>>
      %dma_start3A = tpu.memref_slice %arg4[%add3A_10] : memref<196608xf32, #tpu.memory_space<hbm>> -> memref<2048xf32, #tpu.memory_space<hbm>>
      %dma_start3A_86 = tpu.memref_slice %arg4[%add3A_10] : memref<196608xf32, #tpu.memory_space<hbm>> -> memref<2048xf32, #tpu.memory_space<hbm>>
      tpu.enqueue_dma source(%dma_start3A_86 : memref<2048xf32, #tpu.memory_space<hbm>>) target(%arg11 : memref<2048xf32, #tpu.memory_space<vmem>>) target_semaphore(%run_scoped3A : memref<!tpu.dma_semaphore, #tpu.memory_space<semaphore_mem>>)
      %dma_wait3A = tpu.memref_slice %arg4[%add3A_10] : memref<196608xf32, #tpu.memory_space<hbm>> -> memref<2048xf32, #tpu.memory_space<hbm>>
      %dma_wait3A_87 = tpu.memref_slice %arg4[%add3A_10] : memref<196608xf32, #tpu.memory_space<hbm>> -> memref<2048xf32, #tpu.memory_space<hbm>>
      tpu.wait_dma2 semaphore(%run_scoped3A : memref<!tpu.dma_semaphore, #tpu.memory_space<semaphore_mem>>) src(%dma_wait3A_87 : memref<2048xf32, #tpu.memory_space<hbm>>) dst(%arg11 : memref<2048xf32, #tpu.memory_space<vmem>>)
      tpu.yield
    }) : () -> ()
    %scan3A = arith.constant 0 : i32
    %scan3A_11 = arith.constant 0 : i32
    %scan3A_12 = arith.constant 128 : i32
    %scan3A_13 = arith.addi %scan3A_11, %scan3A_12 : i32
    %scan3A_14 = arith.constant 1 : i32
    %scan3A_15 = scf.for %scan3A_86 = %scan3A_11 to %scan3A_13 step %scan3A_14 iter_args(%scan3A_87 = %scan3A) -> (i32)  : i32 {
      %mul3A_88 = arith.constant 16 : i32
      %mul3A_89 = arith.muli %scan3A_86, %mul3A_88 : i32
      %get3A = arith.index_cast %mul3A_89 : i32 to index
      %get3A_90 = tpu.vector_load %arg9[%get3A] {strides = array<i32>} : memref<2048xi32, #tpu.memory_space<vmem>>, vector<16xi32>,
      %get3A_91 = vector.shape_cast %get3A_90 : vector<16xi32> to vector<16xi32>
      %get3A_92 = arith.index_cast %mul3A_89 : i32 to index
      %get3A_93 = tpu.vector_load %arg10[%get3A_92] {strides = array<i32>} : memref<2048xi32, #tpu.memory_space<vmem>>, vector<16xi32>,
      %get3A_94 = vector.shape_cast %get3A_93 : vector<16xi32> to vector<16xi32>
      %shift_right_arithmetic3A = arith.constant 7 : i32
      %shift_right_arithmetic3A_95 = vector.broadcast %shift_right_arithmetic3A : i32 to vector<16xi32>
      %shift_right_arithmetic3A_96 = arith.shrsi %get3A_94, %shift_right_arithmetic3A_95 : vector<16xi32>
      %shift_left3A = arith.constant 17 : i32
      %shift_left3A_97 = vector.broadcast %shift_left3A : i32 to vector<16xi32>
      %shift_left3A_98 = arith.shli %shift_right_arithmetic3A_96, %shift_left3A_97 : vector<16xi32>
      %shift_left3A_99 = arith.constant 7 : i32
      %shift_left3A_100 = vector.broadcast %shift_left3A_99 : i32 to vector<16xi32>
      %shift_left3A_101 = arith.shli %get3A_91, %shift_left3A_100 : vector<16xi32>
      %add3A_102 = arith.addi %shift_left3A_98, %shift_left3A_101 : vector<16xi32>
      %and3A = arith.constant 127 : i32
      %and3A_103 = vector.broadcast %and3A : i32 to vector<16xi32>
      %and3A_104 = arith.andi %get3A_94, %and3A_103 : vector<16xi32>
      %add3A_105 = arith.addi %add3A_102, %and3A_104 : vector<16xi32>
      %swap3A = arith.index_cast %mul3A_89 : i32 to index
      %swap3A_106 = tpu.vector_load %arg12[%swap3A] {strides = array<i32>} : memref<2048xi32, #tpu.memory_space<vmem>>, vector<16xi32>,
      %swap3A_107 = vector.shape_cast %swap3A_106 : vector<16xi32> to vector<16xi32>
      %swap3A_108 = vector.shape_cast %add3A_105 : vector<16xi32> to vector<16xi32>
      tpu.vector_store %arg12[%swap3A], %swap3A_108 {strides = array<i32>} : memref<2048xi32, #tpu.memory_space<vmem>>, vector<16xi32>,
      %add3A_109 = arith.constant 1048576 : i32
      %add3A_110 = vector.broadcast %add3A_109 : i32 to vector<16xi32>
      %add3A_111 = arith.addi %get3A_94, %add3A_110 : vector<16xi32>
      %swap3A_112 = arith.index_cast %mul3A_89 : i32 to index
      %swap3A_113 = tpu.vector_load %arg13[%swap3A_112] {strides = array<i32>} : memref<2048xi32, #tpu.memory_space<vmem>>, vector<16xi32>,
      %swap3A_114 = vector.shape_cast %swap3A_113 : vector<16xi32> to vector<16xi32>
      %swap3A_115 = vector.shape_cast %add3A_111 : vector<16xi32> to vector<16xi32>
      tpu.vector_store %arg13[%swap3A_112], %swap3A_115 {strides = array<i32>} : memref<2048xi32, #tpu.memory_space<vmem>>, vector<16xi32>,
      %scan3A_116 = arith.constant 0 : i32
      scf.yield %scan3A_116 : i32
    }
    %scan3A_16 = arith.constant 128 : i32
    %barrier3A = arith.constant 0 : index
    tpu.barrier barrier_id(%barrier3A)
    "tpu.region"() ({
      %run_scoped3A = tpu.sem_alloc : memref<!tpu.dma_semaphore, #tpu.memory_space<semaphore_mem>>
      %dma_start3A = arith.constant 0 : i32
      %dma_start3A_86 = tpu.memref_slice %arg8[%dma_start3A] : memref<1050624xf32, #tpu.memory_space<vmem_shared>> -> memref<1050624xf32, #tpu.memory_space<vmem_shared>>
      tpu.enqueue_indirect_dma source(%arg11 : memref<2048xf32, #tpu.memory_space<vmem>>) target(%dma_start3A_86 : memref<1050624xf32, #tpu.memory_space<vmem_shared>>) offsets(%arg12 : memref<2048xi32, #tpu.memory_space<vmem>>) semaphore(%run_scoped3A : memref<!tpu.dma_semaphore, #tpu.memory_space<semaphore_mem>>) {add = true}
      %dma_wait3A = arith.constant 0 : i32
      %dma_wait3A_87 = tpu.memref_slice %arg8[%dma_wait3A] : memref<1050624xf32, #tpu.memory_space<vmem_shared>> -> memref<1050624xf32, #tpu.memory_space<vmem_shared>>
      tpu.wait_indirect_dma semaphore(%run_scoped3A : memref<!tpu.dma_semaphore, #tpu.memory_space<semaphore_mem>>) src(%arg11 : memref<2048xf32, #tpu.memory_space<vmem>>) dst(%dma_wait3A_87 : memref<1050624xf32, #tpu.memory_space<vmem_shared>>)
      tpu.yield
    }) : () -> ()
    "tpu.region"() ({
      %run_scoped3A = tpu.sem_alloc : memref<!tpu.dma_semaphore, #tpu.memory_space<semaphore_mem>>
      %dma_start3A = arith.constant 0 : i32
      %dma_start3A_86 = tpu.memref_slice %arg8[%dma_start3A] : memref<1050624xf32, #tpu.memory_space<vmem_shared>> -> memref<1050624xf32, #tpu.memory_space<vmem_shared>>
      tpu.enqueue_indirect_dma source(%arg11 : memref<2048xf32, #tpu.memory_space<vmem>>) target(%dma_start3A_86 : memref<1050624xf32, #tpu.memory_space<vmem_shared>>) offsets(%arg13 : memref<2048xi32, #tpu.memory_space<vmem>>) semaphore(%run_scoped3A : memref<!tpu.dma_semaphore, #tpu.memory_space<semaphore_mem>>) {add = true}
      %dma_wait3A = arith.constant 0 : i32
      %dma_wait3A_87 = tpu.memref_slice %arg8[%dma_wait3A] : memref<1050624xf32, #tpu.memory_space<vmem_shared>> -> memref<1050624xf32, #tpu.memory_space<vmem_shared>>
      tpu.wait_indirect_dma semaphore(%run_scoped3A : memref<!tpu.dma_semaphore, #tpu.memory_space<semaphore_mem>>) src(%arg11 : memref<2048xf32, #tpu.memory_space<vmem>>) dst(%dma_wait3A_87 : memref<1050624xf32, #tpu.memory_space<vmem_shared>>)
      tpu.yield
    }) : () -> ()
    %barrier3A_17 = arith.constant 0 : index
    tpu.barrier barrier_id(%barrier3A_17)
    %mul3A_18 = arith.constant 65536 : i32
    %mul3A_19 = arith.muli %arg1, %mul3A_18 : i32
    %add3A_20 = arith.constant 0 : i32
    %add3A_21 = arith.addi %mul3A_2, %add3A_20 : i32
    %mul3A_22 = arith.constant 65536 : i32
    %mul3A_23 = arith.muli %arg1, %mul3A_22 : i32
    %add3A_24 = arith.addi %add3A_21, %mul3A_23 : i32
    "tpu.region"() ({
      %run_scoped3A = tpu.sem_alloc : memref<!tpu.dma_semaphore, #tpu.memory_space<semaphore_mem>>
      %dma_start3A = tpu.memref_slice %arg6[%add3A_24] : memref<6291456xf32, #tpu.memory_space<hbm>> -> memref<65536xf32, #tpu.memory_space<hbm>>
      %dma_start3A_86 = tpu.memref_slice %arg8[%mul3A_19] : memref<1050624xf32, #tpu.memory_space<vmem_shared>> -> memref<65536xf32, #tpu.memory_space<vmem_shared>>
      tpu.enqueue_dma source(%dma_start3A_86 : memref<65536xf32, #tpu.memory_space<vmem_shared>>) target(%dma_start3A : memref<65536xf32, #tpu.memory_space<hbm>>) target_semaphore(%run_scoped3A : memref<!tpu.dma_semaphore, #tpu.memory_space<semaphore_mem>>)
      %dma_wait3A = tpu.memref_slice %arg6[%add3A_24] : memref<6291456xf32, #tpu.memory_space<hbm>> -> memref<65536xf32, #tpu.memory_space<hbm>>
      %dma_wait3A_87 = tpu.memref_slice %arg8[%mul3A_19] : memref<1050624xf32, #tpu.memory_space<vmem_shared>> -> memref<65536xf32, #tpu.memory_space<vmem_shared>>
      tpu.wait_dma2 semaphore(%run_scoped3A : memref<!tpu.dma_semaphore, #tpu.memory_space<semaphore_mem>>) src(%dma_wait3A_87 : memref<65536xf32, #tpu.memory_space<vmem_shared>>) dst(%dma_wait3A : memref<65536xf32, #tpu.memory_space<hbm>>)
      tpu.yield
    }) : () -> ()
    %eq3A = arith.constant 0 : i32
    %eq3A_25 = arith.cmpi eq, %arg1, %eq3A : i32
    %convert_element_type3A = arith.extui %eq3A_25 : i1 to i32
    %cond3A = arith.constant 0 : i32
    %cond3A_26 = arith.cmpi ne, %convert_element_type3A, %cond3A : i32
    scf.if %cond3A_26 {
      %add3A_86 = arith.constant 0 : i32
      %add3A_87 = arith.addi %mul3A_4, %add3A_86 : i32
      "tpu.region"() ({
        %run_scoped3A = tpu.sem_alloc : memref<!tpu.dma_semaphore, #tpu.memory_space<semaphore_mem>>
        %dma_start3A = tpu.memref_slice %arg7[%add3A_87] : memref<6144xf32, #tpu.memory_space<hbm>> -> memref<1024xf32, #tpu.memory_space<hbm>>
        %dma_start3A_88 = arith.constant 1048576 : i32
        %dma_start3A_89 = tpu.memref_slice %arg8[%dma_start3A_88] : memref<1050624xf32, #tpu.memory_space<vmem_shared>> -> memref<1024xf32, #tpu.memory_space<vmem_shared>>
        tpu.enqueue_dma source(%dma_start3A_89 : memref<1024xf32, #tpu.memory_space<vmem_shared>>) target(%dma_start3A : memref<1024xf32, #tpu.memory_space<hbm>>) target_semaphore(%run_scoped3A : memref<!tpu.dma_semaphore, #tpu.memory_space<semaphore_mem>>)
        %dma_wait3A = tpu.memref_slice %arg7[%add3A_87] : memref<6144xf32, #tpu.memory_space<hbm>> -> memref<1024xf32, #tpu.memory_space<hbm>>
        %dma_wait3A_90 = arith.constant 1048576 : i32
        %dma_wait3A_91 = tpu.memref_slice %arg8[%dma_wait3A_90] : memref<1050624xf32, #tpu.memory_space<vmem_shared>> -> memref<1024xf32, #tpu.memory_space<vmem_shared>>
        tpu.wait_dma2 semaphore(%run_scoped3A : memref<!tpu.dma_semaphore, #tpu.memory_space<semaphore_mem>>) src(%dma_wait3A_91 : memref<1024xf32, #tpu.memory_space<vmem_shared>>) dst(%dma_wait3A : memref<1024xf32, #tpu.memory_space<hbm>>)
        tpu.yield
      }) : () -> ()
    } else {
    }
    %barrier3A_27 = arith.constant 0 : index
    tpu.barrier barrier_id(%barrier3A_27)
    %mul3A_28 = arith.constant 65664 : i32
    %mul3A_29 = arith.muli %arg1, %mul3A_28 : i32
    "tpu.region"() ({
      %run_scoped3A = tpu.sem_alloc : memref<!tpu.dma_semaphore, #tpu.memory_space<semaphore_mem>>
      %dma_start3A = tpu.memref_slice %arg8[%mul3A_29] : memref<1050624xf32, #tpu.memory_space<vmem_shared>> -> memref<65664xf32, #tpu.memory_space<vmem_shared>>
      tpu.enqueue_dma source(%arg5 : memref<65664xf32, #tpu.memory_space<hbm>>) target(%dma_start3A : memref<65664xf32, #tpu.memory_space<vmem_shared>>) target_semaphore(%run_scoped3A : memref<!tpu.dma_semaphore, #tpu.memory_space<semaphore_mem>>)
      %dma_wait3A = tpu.memref_slice %arg8[%mul3A_29] : memref<1050624xf32, #tpu.memory_space<vmem_shared>> -> memref<65664xf32, #tpu.memory_space<vmem_shared>>
      tpu.wait_dma2 semaphore(%run_scoped3A : memref<!tpu.dma_semaphore, #tpu.memory_space<semaphore_mem>>) src(%arg5 : memref<65664xf32, #tpu.memory_space<hbm>>) dst(%dma_wait3A : memref<65664xf32, #tpu.memory_space<vmem_shared>>)
      tpu.yield
    }) : () -> ()
    %add3A_30 = arith.constant 32768 : i32
    %add3A_31 = arith.addi %mul3A_0, %add3A_30 : i32
    %mul3A_32 = arith.constant 2048 : i32
    %mul3A_33 = arith.muli %arg1, %mul3A_32 : i32
    %add3A_34 = arith.addi %add3A_31, %mul3A_33 : i32
    "tpu.region"() ({
      %run_scoped3A = tpu.sem_alloc : memref<!tpu.dma_semaphore, #tpu.memory_space<semaphore_mem>>
      %dma_start3A = tpu.memref_slice %arg2[%add3A_34] : memref<196608xi32, #tpu.memory_space<hbm>> -> memref<2048xi32, #tpu.memory_space<hbm>>
      %dma_start3A_86 = tpu.memref_slice %arg2[%add3A_34] : memref<196608xi32, #tpu.memory_space<hbm>> -> memref<2048xi32, #tpu.memory_space<hbm>>
      tpu.enqueue_dma source(%dma_start3A_86 : memref<2048xi32, #tpu.memory_space<hbm>>) target(%arg9 : memref<2048xi32, #tpu.memory_space<vmem>>) target_semaphore(%run_scoped3A : memref<!tpu.dma_semaphore, #tpu.memory_space<semaphore_mem>>)
      %dma_wait3A = tpu.memref_slice %arg2[%add3A_34] : memref<196608xi32, #tpu.memory_space<hbm>> -> memref<2048xi32, #tpu.memory_space<hbm>>
      %dma_wait3A_87 = tpu.memref_slice %arg2[%add3A_34] : memref<196608xi32, #tpu.memory_space<hbm>> -> memref<2048xi32, #tpu.memory_space<hbm>>
      tpu.wait_dma2 semaphore(%run_scoped3A : memref<!tpu.dma_semaphore, #tpu.memory_space<semaphore_mem>>) src(%dma_wait3A_87 : memref<2048xi32, #tpu.memory_space<hbm>>) dst(%arg9 : memref<2048xi32, #tpu.memory_space<vmem>>)
      tpu.yield
    }) : () -> ()
    "tpu.region"() ({
      %run_scoped3A = tpu.sem_alloc : memref<!tpu.dma_semaphore, #tpu.memory_space<semaphore_mem>>
      %dma_start3A = tpu.memref_slice %arg3[%add3A_34] : memref<196608xi32, #tpu.memory_space<hbm>> -> memref<2048xi32, #tpu.memory_space<hbm>>
      %dma_start3A_86 = tpu.memref_slice %arg3[%add3A_34] : memref<196608xi32, #tpu.memory_space<hbm>> -> memref<2048xi32, #tpu.memory_space<hbm>>
      tpu.enqueue_dma source(%dma_start3A_86 : memref<2048xi32, #tpu.memory_space<hbm>>) target(%arg10 : memref<2048xi32, #tpu.memory_space<vmem>>) target_semaphore(%run_scoped3A : memref<!tpu.dma_semaphore, #tpu.memory_space<semaphore_mem>>)
      %dma_wait3A = tpu.memref_slice %arg3[%add3A_34] : memref<196608xi32, #tpu.memory_space<hbm>> -> memref<2048xi32, #tpu.memory_space<hbm>>
      %dma_wait3A_87 = tpu.memref_slice %arg3[%add3A_34] : memref<196608xi32, #tpu.memory_space<hbm>> -> memref<2048xi32, #tpu.memory_space<hbm>>
      tpu.wait_dma2 semaphore(%run_scoped3A : memref<!tpu.dma_semaphore, #tpu.memory_space<semaphore_mem>>) src(%dma_wait3A_87 : memref<2048xi32, #tpu.memory_space<hbm>>) dst(%arg10 : memref<2048xi32, #tpu.memory_space<vmem>>)
      tpu.yield
    }) : () -> ()
    "tpu.region"() ({
      %run_scoped3A = tpu.sem_alloc : memref<!tpu.dma_semaphore, #tpu.memory_space<semaphore_mem>>
      %dma_start3A = tpu.memref_slice %arg4[%add3A_34] : memref<196608xf32, #tpu.memory_space<hbm>> -> memref<2048xf32, #tpu.memory_space<hbm>>
      %dma_start3A_86 = tpu.memref_slice %arg4[%add3A_34] : memref<196608xf32, #tpu.memory_space<hbm>> -> memref<2048xf32, #tpu.memory_space<hbm>>
      tpu.enqueue_dma source(%dma_start3A_86 : memref<2048xf32, #tpu.memory_space<hbm>>) target(%arg11 : memref<2048xf32, #tpu.memory_space<vmem>>) target_semaphore(%run_scoped3A : memref<!tpu.dma_semaphore, #tpu.memory_space<semaphore_mem>>)
      %dma_wait3A = tpu.memref_slice %arg4[%add3A_34] : memref<196608xf32, #tpu.memory_space<hbm>> -> memref<2048xf32, #tpu.memory_space<hbm>>
      %dma_wait3A_87 = tpu.memref_slice %arg4[%add3A_34] : memref<196608xf32, #tpu.memory_space<hbm>> -> memref<2048xf32, #tpu.memory_space<hbm>>
      tpu.wait_dma2 semaphore(%run_scoped3A : memref<!tpu.dma_semaphore, #tpu.memory_space<semaphore_mem>>) src(%dma_wait3A_87 : memref<2048xf32, #tpu.memory_space<hbm>>) dst(%arg11 : memref<2048xf32, #tpu.memory_space<vmem>>)
      tpu.yield
    }) : () -> ()
    %scan3A_35 = arith.constant 0 : i32
    %scan3A_36 = arith.constant 0 : i32
    %scan3A_37 = arith.constant 128 : i32
    %scan3A_38 = arith.addi %scan3A_36, %scan3A_37 : i32
    %scan3A_39 = arith.constant 1 : i32
    %scan3A_40 = scf.for %scan3A_86 = %scan3A_36 to %scan3A_38 step %scan3A_39 iter_args(%scan3A_87 = %scan3A_35) -> (i32)  : i32 {
      %mul3A_88 = arith.constant 16 : i32
      %mul3A_89 = arith.muli %scan3A_86, %mul3A_88 : i32
      %get3A = arith.index_cast %mul3A_89 : i32 to index
      %get3A_90 = tpu.vector_load %arg9[%get3A] {strides = array<i32>} : memref<2048xi32, #tpu.memory_space<vmem>>, vector<16xi32>,
      %get3A_91 = vector.shape_cast %get3A_90 : vector<16xi32> to vector<16xi32>
      %get3A_92 = arith.index_cast %mul3A_89 : i32 to index
      %get3A_93 = tpu.vector_load %arg10[%get3A_92] {strides = array<i32>} : memref<2048xi32, #tpu.memory_space<vmem>>, vector<16xi32>,
      %get3A_94 = vector.shape_cast %get3A_93 : vector<16xi32> to vector<16xi32>
      %shift_right_arithmetic3A = arith.constant 7 : i32
      %shift_right_arithmetic3A_95 = vector.broadcast %shift_right_arithmetic3A : i32 to vector<16xi32>
      %shift_right_arithmetic3A_96 = arith.shrsi %get3A_94, %shift_right_arithmetic3A_95 : vector<16xi32>
      %shift_left3A = arith.constant 17 : i32
      %shift_left3A_97 = vector.broadcast %shift_left3A : i32 to vector<16xi32>
      %shift_left3A_98 = arith.shli %shift_right_arithmetic3A_96, %shift_left3A_97 : vector<16xi32>
      %shift_left3A_99 = arith.constant 7 : i32
      %shift_left3A_100 = vector.broadcast %shift_left3A_99 : i32 to vector<16xi32>
      %shift_left3A_101 = arith.shli %get3A_91, %shift_left3A_100 : vector<16xi32>
      %add3A_102 = arith.addi %shift_left3A_98, %shift_left3A_101 : vector<16xi32>
      %and3A = arith.constant 127 : i32
      %and3A_103 = vector.broadcast %and3A : i32 to vector<16xi32>
      %and3A_104 = arith.andi %get3A_94, %and3A_103 : vector<16xi32>
      %add3A_105 = arith.addi %add3A_102, %and3A_104 : vector<16xi32>
      %swap3A = arith.index_cast %mul3A_89 : i32 to index
      %swap3A_106 = tpu.vector_load %arg12[%swap3A] {strides = array<i32>} : memref<2048xi32, #tpu.memory_space<vmem>>, vector<16xi32>,
      %swap3A_107 = vector.shape_cast %swap3A_106 : vector<16xi32> to vector<16xi32>
      %swap3A_108 = vector.shape_cast %add3A_105 : vector<16xi32> to vector<16xi32>
      tpu.vector_store %arg12[%swap3A], %swap3A_108 {strides = array<i32>} : memref<2048xi32, #tpu.memory_space<vmem>>, vector<16xi32>,
      %add3A_109 = arith.constant 1048576 : i32
      %add3A_110 = vector.broadcast %add3A_109 : i32 to vector<16xi32>
      %add3A_111 = arith.addi %get3A_94, %add3A_110 : vector<16xi32>
      %swap3A_112 = arith.index_cast %mul3A_89 : i32 to index
      %swap3A_113 = tpu.vector_load %arg13[%swap3A_112] {strides = array<i32>} : memref<2048xi32, #tpu.memory_space<vmem>>, vector<16xi32>,
      %swap3A_114 = vector.shape_cast %swap3A_113 : vector<16xi32> to vector<16xi32>
      %swap3A_115 = vector.shape_cast %add3A_111 : vector<16xi32> to vector<16xi32>
      tpu.vector_store %arg13[%swap3A_112], %swap3A_115 {strides = array<i32>} : memref<2048xi32, #tpu.memory_space<vmem>>, vector<16xi32>,
      %scan3A_116 = arith.constant 0 : i32
      scf.yield %scan3A_116 : i32
    }
    %scan3A_41 = arith.constant 128 : i32
    %barrier3A_42 = arith.constant 0 : index
    tpu.barrier barrier_id(%barrier3A_42)
    "tpu.region"() ({
      %run_scoped3A = tpu.sem_alloc : memref<!tpu.dma_semaphore, #tpu.memory_space<semaphore_mem>>
      %dma_start3A = arith.constant 0 : i32
      %dma_start3A_86 = tpu.memref_slice %arg8[%dma_start3A] : memref<1050624xf32, #tpu.memory_space<vmem_shared>> -> memref<1050624xf32, #tpu.memory_space<vmem_shared>>
      tpu.enqueue_indirect_dma source(%arg11 : memref<2048xf32, #tpu.memory_space<vmem>>) target(%dma_start3A_86 : memref<1050624xf32, #tpu.memory_space<vmem_shared>>) offsets(%arg12 : memref<2048xi32, #tpu.memory_space<vmem>>) semaphore(%run_scoped3A : memref<!tpu.dma_semaphore, #tpu.memory_space<semaphore_mem>>) {add = true}
      %dma_wait3A = arith.constant 0 : i32
      %dma_wait3A_87 = tpu.memref_slice %arg8[%dma_wait3A] : memref<1050624xf32, #tpu.memory_space<vmem_shared>> -> memref<1050624xf32, #tpu.memory_space<vmem_shared>>
      tpu.wait_indirect_dma semaphore(%run_scoped3A : memref<!tpu.dma_semaphore, #tpu.memory_space<semaphore_mem>>) src(%arg11 : memref<2048xf32, #tpu.memory_space<vmem>>) dst(%dma_wait3A_87 : memref<1050624xf32, #tpu.memory_space<vmem_shared>>)
      tpu.yield
    }) : () -> ()
    "tpu.region"() ({
      %run_scoped3A = tpu.sem_alloc : memref<!tpu.dma_semaphore, #tpu.memory_space<semaphore_mem>>
      %dma_start3A = arith.constant 0 : i32
      %dma_start3A_86 = tpu.memref_slice %arg8[%dma_start3A] : memref<1050624xf32, #tpu.memory_space<vmem_shared>> -> memref<1050624xf32, #tpu.memory_space<vmem_shared>>
      tpu.enqueue_indirect_dma source(%arg11 : memref<2048xf32, #tpu.memory_space<vmem>>) target(%dma_start3A_86 : memref<1050624xf32, #tpu.memory_space<vmem_shared>>) offsets(%arg13 : memref<2048xi32, #tpu.memory_space<vmem>>) semaphore(%run_scoped3A : memref<!tpu.dma_semaphore, #tpu.memory_space<semaphore_mem>>) {add = true}
      %dma_wait3A = arith.constant 0 : i32
      %dma_wait3A_87 = tpu.memref_slice %arg8[%dma_wait3A] : memref<1050624xf32, #tpu.memory_space<vmem_shared>> -> memref<1050624xf32, #tpu.memory_space<vmem_shared>>
      tpu.wait_indirect_dma semaphore(%run_scoped3A : memref<!tpu.dma_semaphore, #tpu.memory_space<semaphore_mem>>) src(%arg11 : memref<2048xf32, #tpu.memory_space<vmem>>) dst(%dma_wait3A_87 : memref<1050624xf32, #tpu.memory_space<vmem_shared>>)
      tpu.yield
    }) : () -> ()
    %barrier3A_43 = arith.constant 0 : index
    tpu.barrier barrier_id(%barrier3A_43)
    %mul3A_44 = arith.constant 65536 : i32
    %mul3A_45 = arith.muli %arg1, %mul3A_44 : i32
    %add3A_46 = arith.constant 1048576 : i32
    %add3A_47 = arith.addi %mul3A_2, %add3A_46 : i32
    %mul3A_48 = arith.constant 65536 : i32
    %mul3A_49 = arith.muli %arg1, %mul3A_48 : i32
    %add3A_50 = arith.addi %add3A_47, %mul3A_49 : i32
    "tpu.region"() ({
      %run_scoped3A = tpu.sem_alloc : memref<!tpu.dma_semaphore, #tpu.memory_space<semaphore_mem>>
      %dma_start3A = tpu.memref_slice %arg6[%add3A_50] : memref<6291456xf32, #tpu.memory_space<hbm>> -> memref<65536xf32, #tpu.memory_space<hbm>>
      %dma_start3A_86 = tpu.memref_slice %arg8[%mul3A_45] : memref<1050624xf32, #tpu.memory_space<vmem_shared>> -> memref<65536xf32, #tpu.memory_space<vmem_shared>>
      tpu.enqueue_dma source(%dma_start3A_86 : memref<65536xf32, #tpu.memory_space<vmem_shared>>) target(%dma_start3A : memref<65536xf32, #tpu.memory_space<hbm>>) target_semaphore(%run_scoped3A : memref<!tpu.dma_semaphore, #tpu.memory_space<semaphore_mem>>)
      %dma_wait3A = tpu.memref_slice %arg6[%add3A_50] : memref<6291456xf32, #tpu.memory_space<hbm>> -> memref<65536xf32, #tpu.memory_space<hbm>>
      %dma_wait3A_87 = tpu.memref_slice %arg8[%mul3A_45] : memref<1050624xf32, #tpu.memory_space<vmem_shared>> -> memref<65536xf32, #tpu.memory_space<vmem_shared>>
      tpu.wait_dma2 semaphore(%run_scoped3A : memref<!tpu.dma_semaphore, #tpu.memory_space<semaphore_mem>>) src(%dma_wait3A_87 : memref<65536xf32, #tpu.memory_space<vmem_shared>>) dst(%dma_wait3A : memref<65536xf32, #tpu.memory_space<hbm>>)
      tpu.yield
    }) : () -> ()
    %eq3A_51 = arith.constant 0 : i32
    %eq3A_52 = arith.cmpi eq, %arg1, %eq3A_51 : i32
    %convert_element_type3A_53 = arith.extui %eq3A_52 : i1 to i32
    %cond3A_54 = arith.constant 0 : i32
    %cond3A_55 = arith.cmpi ne, %convert_element_type3A_53, %cond3A_54 : i32
    scf.if %cond3A_55 {
      %add3A_86 = arith.constant 1024 : i32
      %add3A_87 = arith.addi %mul3A_4, %add3A_86 : i32
      "tpu.region"() ({
        %run_scoped3A = tpu.sem_alloc : memref<!tpu.dma_semaphore, #tpu.memory_space<semaphore_mem>>
        %dma_start3A = tpu.memref_slice %arg7[%add3A_87] : memref<6144xf32, #tpu.memory_space<hbm>> -> memref<1024xf32, #tpu.memory_space<hbm>>
        %dma_start3A_88 = arith.constant 1048576 : i32
        %dma_start3A_89 = tpu.memref_slice %arg8[%dma_start3A_88] : memref<1050624xf32, #tpu.memory_space<vmem_shared>> -> memref<1024xf32, #tpu.memory_space<vmem_shared>>
        tpu.enqueue_dma source(%dma_start3A_89 : memref<1024xf32, #tpu.memory_space<vmem_shared>>) target(%dma_start3A : memref<1024xf32, #tpu.memory_space<hbm>>) target_semaphore(%run_scoped3A : memref<!tpu.dma_semaphore, #tpu.memory_space<semaphore_mem>>)
        %dma_wait3A = tpu.memref_slice %arg7[%add3A_87] : memref<6144xf32, #tpu.memory_space<hbm>> -> memref<1024xf32, #tpu.memory_space<hbm>>
        %dma_wait3A_90 = arith.constant 1048576 : i32
        %dma_wait3A_91 = tpu.memref_slice %arg8[%dma_wait3A_90] : memref<1050624xf32, #tpu.memory_space<vmem_shared>> -> memref<1024xf32, #tpu.memory_space<vmem_shared>>
        tpu.wait_dma2 semaphore(%run_scoped3A : memref<!tpu.dma_semaphore, #tpu.memory_space<semaphore_mem>>) src(%dma_wait3A_91 : memref<1024xf32, #tpu.memory_space<vmem_shared>>) dst(%dma_wait3A : memref<1024xf32, #tpu.memory_space<hbm>>)
        tpu.yield
      }) : () -> ()
    } else {
    }
    %barrier3A_56 = arith.constant 0 : index
    tpu.barrier barrier_id(%barrier3A_56)
    %mul3A_57 = arith.constant 65664 : i32
    %mul3A_58 = arith.muli %arg1, %mul3A_57 : i32
    "tpu.region"() ({
      %run_scoped3A = tpu.sem_alloc : memref<!tpu.dma_semaphore, #tpu.memory_space<semaphore_mem>>
      %dma_start3A = tpu.memref_slice %arg8[%mul3A_58] : memref<1050624xf32, #tpu.memory_space<vmem_shared>> -> memref<65664xf32, #tpu.memory_space<vmem_shared>>
      tpu.enqueue_dma source(%arg5 : memref<65664xf32, #tpu.memory_space<hbm>>) target(%dma_start3A : memref<65664xf32, #tpu.memory_space<vmem_shared>>) target_semaphore(%run_scoped3A : memref<!tpu.dma_semaphore, #tpu.memory_space<semaphore_mem>>)
      %dma_wait3A = tpu.memref_slice %arg8[%mul3A_58] : memref<1050624xf32, #tpu.memory_space<vmem_shared>> -> memref<65664xf32, #tpu.memory_space<vmem_shared>>
      tpu.wait_dma2 semaphore(%run_scoped3A : memref<!tpu.dma_semaphore, #tpu.memory_space<semaphore_mem>>) src(%arg5 : memref<65664xf32, #tpu.memory_space<hbm>>) dst(%dma_wait3A : memref<65664xf32, #tpu.memory_space<vmem_shared>>)
      tpu.yield
    }) : () -> ()
    %add3A_59 = arith.constant 65536 : i32
    %add3A_60 = arith.addi %mul3A_0, %add3A_59 : i32
    %mul3A_61 = arith.constant 2048 : i32
    %mul3A_62 = arith.muli %arg1, %mul3A_61 : i32
    %add3A_63 = arith.addi %add3A_60, %mul3A_62 : i32
    "tpu.region"() ({
      %run_scoped3A = tpu.sem_alloc : memref<!tpu.dma_semaphore, #tpu.memory_space<semaphore_mem>>
      %dma_start3A = tpu.memref_slice %arg2[%add3A_63] : memref<196608xi32, #tpu.memory_space<hbm>> -> memref<2048xi32, #tpu.memory_space<hbm>>
      %dma_start3A_86 = tpu.memref_slice %arg2[%add3A_63] : memref<196608xi32, #tpu.memory_space<hbm>> -> memref<2048xi32, #tpu.memory_space<hbm>>
      tpu.enqueue_dma source(%dma_start3A_86 : memref<2048xi32, #tpu.memory_space<hbm>>) target(%arg9 : memref<2048xi32, #tpu.memory_space<vmem>>) target_semaphore(%run_scoped3A : memref<!tpu.dma_semaphore, #tpu.memory_space<semaphore_mem>>)
      %dma_wait3A = tpu.memref_slice %arg2[%add3A_63] : memref<196608xi32, #tpu.memory_space<hbm>> -> memref<2048xi32, #tpu.memory_space<hbm>>
      %dma_wait3A_87 = tpu.memref_slice %arg2[%add3A_63] : memref<196608xi32, #tpu.memory_space<hbm>> -> memref<2048xi32, #tpu.memory_space<hbm>>
      tpu.wait_dma2 semaphore(%run_scoped3A : memref<!tpu.dma_semaphore, #tpu.memory_space<semaphore_mem>>) src(%dma_wait3A_87 : memref<2048xi32, #tpu.memory_space<hbm>>) dst(%arg9 : memref<2048xi32, #tpu.memory_space<vmem>>)
      tpu.yield
    }) : () -> ()
    "tpu.region"() ({
      %run_scoped3A = tpu.sem_alloc : memref<!tpu.dma_semaphore, #tpu.memory_space<semaphore_mem>>
      %dma_start3A = tpu.memref_slice %arg3[%add3A_63] : memref<196608xi32, #tpu.memory_space<hbm>> -> memref<2048xi32, #tpu.memory_space<hbm>>
      %dma_start3A_86 = tpu.memref_slice %arg3[%add3A_63] : memref<196608xi32, #tpu.memory_space<hbm>> -> memref<2048xi32, #tpu.memory_space<hbm>>
      tpu.enqueue_dma source(%dma_start3A_86 : memref<2048xi32, #tpu.memory_space<hbm>>) target(%arg10 : memref<2048xi32, #tpu.memory_space<vmem>>) target_semaphore(%run_scoped3A : memref<!tpu.dma_semaphore, #tpu.memory_space<semaphore_mem>>)
      %dma_wait3A = tpu.memref_slice %arg3[%add3A_63] : memref<196608xi32, #tpu.memory_space<hbm>> -> memref<2048xi32, #tpu.memory_space<hbm>>
      %dma_wait3A_87 = tpu.memref_slice %arg3[%add3A_63] : memref<196608xi32, #tpu.memory_space<hbm>> -> memref<2048xi32, #tpu.memory_space<hbm>>
      tpu.wait_dma2 semaphore(%run_scoped3A : memref<!tpu.dma_semaphore, #tpu.memory_space<semaphore_mem>>) src(%dma_wait3A_87 : memref<2048xi32, #tpu.memory_space<hbm>>) dst(%arg10 : memref<2048xi32, #tpu.memory_space<vmem>>)
      tpu.yield
    }) : () -> ()
    "tpu.region"() ({
      %run_scoped3A = tpu.sem_alloc : memref<!tpu.dma_semaphore, #tpu.memory_space<semaphore_mem>>
      %dma_start3A = tpu.memref_slice %arg4[%add3A_63] : memref<196608xf32, #tpu.memory_space<hbm>> -> memref<2048xf32, #tpu.memory_space<hbm>>
      %dma_start3A_86 = tpu.memref_slice %arg4[%add3A_63] : memref<196608xf32, #tpu.memory_space<hbm>> -> memref<2048xf32, #tpu.memory_space<hbm>>
      tpu.enqueue_dma source(%dma_start3A_86 : memref<2048xf32, #tpu.memory_space<hbm>>) target(%arg11 : memref<2048xf32, #tpu.memory_space<vmem>>) target_semaphore(%run_scoped3A : memref<!tpu.dma_semaphore, #tpu.memory_space<semaphore_mem>>)
      %dma_wait3A = tpu.memref_slice %arg4[%add3A_63] : memref<196608xf32, #tpu.memory_space<hbm>> -> memref<2048xf32, #tpu.memory_space<hbm>>
      %dma_wait3A_87 = tpu.memref_slice %arg4[%add3A_63] : memref<196608xf32, #tpu.memory_space<hbm>> -> memref<2048xf32, #tpu.memory_space<hbm>>
      tpu.wait_dma2 semaphore(%run_scoped3A : memref<!tpu.dma_semaphore, #tpu.memory_space<semaphore_mem>>) src(%dma_wait3A_87 : memref<2048xf32, #tpu.memory_space<hbm>>) dst(%arg11 : memref<2048xf32, #tpu.memory_space<vmem>>)
      tpu.yield
    }) : () -> ()
    %scan3A_64 = arith.constant 0 : i32
    %scan3A_65 = arith.constant 0 : i32
    %scan3A_66 = arith.constant 128 : i32
    %scan3A_67 = arith.addi %scan3A_65, %scan3A_66 : i32
    %scan3A_68 = arith.constant 1 : i32
    %scan3A_69 = scf.for %scan3A_86 = %scan3A_65 to %scan3A_67 step %scan3A_68 iter_args(%scan3A_87 = %scan3A_64) -> (i32)  : i32 {
      %mul3A_88 = arith.constant 16 : i32
      %mul3A_89 = arith.muli %scan3A_86, %mul3A_88 : i32
      %get3A = arith.index_cast %mul3A_89 : i32 to index
      %get3A_90 = tpu.vector_load %arg9[%get3A] {strides = array<i32>} : memref<2048xi32, #tpu.memory_space<vmem>>, vector<16xi32>,
      %get3A_91 = vector.shape_cast %get3A_90 : vector<16xi32> to vector<16xi32>
      %get3A_92 = arith.index_cast %mul3A_89 : i32 to index
      %get3A_93 = tpu.vector_load %arg10[%get3A_92] {strides = array<i32>} : memref<2048xi32, #tpu.memory_space<vmem>>, vector<16xi32>,
      %get3A_94 = vector.shape_cast %get3A_93 : vector<16xi32> to vector<16xi32>
      %shift_right_arithmetic3A = arith.constant 7 : i32
      %shift_right_arithmetic3A_95 = vector.broadcast %shift_right_arithmetic3A : i32 to vector<16xi32>
      %shift_right_arithmetic3A_96 = arith.shrsi %get3A_94, %shift_right_arithmetic3A_95 : vector<16xi32>
      %shift_left3A = arith.constant 17 : i32
      %shift_left3A_97 = vector.broadcast %shift_left3A : i32 to vector<16xi32>
      %shift_left3A_98 = arith.shli %shift_right_arithmetic3A_96, %shift_left3A_97 : vector<16xi32>
      %shift_left3A_99 = arith.constant 7 : i32
      %shift_left3A_100 = vector.broadcast %shift_left3A_99 : i32 to vector<16xi32>
      %shift_left3A_101 = arith.shli %get3A_91, %shift_left3A_100 : vector<16xi32>
      %add3A_102 = arith.addi %shift_left3A_98, %shift_left3A_101 : vector<16xi32>
      %and3A = arith.constant 127 : i32
      %and3A_103 = vector.broadcast %and3A : i32 to vector<16xi32>
      %and3A_104 = arith.andi %get3A_94, %and3A_103 : vector<16xi32>
      %add3A_105 = arith.addi %add3A_102, %and3A_104 : vector<16xi32>
      %swap3A = arith.index_cast %mul3A_89 : i32 to index
      %swap3A_106 = tpu.vector_load %arg12[%swap3A] {strides = array<i32>} : memref<2048xi32, #tpu.memory_space<vmem>>, vector<16xi32>,
      %swap3A_107 = vector.shape_cast %swap3A_106 : vector<16xi32> to vector<16xi32>
      %swap3A_108 = vector.shape_cast %add3A_105 : vector<16xi32> to vector<16xi32>
      tpu.vector_store %arg12[%swap3A], %swap3A_108 {strides = array<i32>} : memref<2048xi32, #tpu.memory_space<vmem>>, vector<16xi32>,
      %add3A_109 = arith.constant 1048576 : i32
      %add3A_110 = vector.broadcast %add3A_109 : i32 to vector<16xi32>
      %add3A_111 = arith.addi %get3A_94, %add3A_110 : vector<16xi32>
      %swap3A_112 = arith.index_cast %mul3A_89 : i32 to index
      %swap3A_113 = tpu.vector_load %arg13[%swap3A_112] {strides = array<i32>} : memref<2048xi32, #tpu.memory_space<vmem>>, vector<16xi32>,
      %swap3A_114 = vector.shape_cast %swap3A_113 : vector<16xi32> to vector<16xi32>
      %swap3A_115 = vector.shape_cast %add3A_111 : vector<16xi32> to vector<16xi32>
      tpu.vector_store %arg13[%swap3A_112], %swap3A_115 {strides = array<i32>} : memref<2048xi32, #tpu.memory_space<vmem>>, vector<16xi32>,
      %scan3A_116 = arith.constant 0 : i32
      scf.yield %scan3A_116 : i32
    }
    %scan3A_70 = arith.constant 128 : i32
    %barrier3A_71 = arith.constant 0 : index
    tpu.barrier barrier_id(%barrier3A_71)
    "tpu.region"() ({
      %run_scoped3A = tpu.sem_alloc : memref<!tpu.dma_semaphore, #tpu.memory_space<semaphore_mem>>
      %dma_start3A = arith.constant 0 : i32
      %dma_start3A_86 = tpu.memref_slice %arg8[%dma_start3A] : memref<1050624xf32, #tpu.memory_space<vmem_shared>> -> memref<1050624xf32, #tpu.memory_space<vmem_shared>>
      tpu.enqueue_indirect_dma source(%arg11 : memref<2048xf32, #tpu.memory_space<vmem>>) target(%dma_start3A_86 : memref<1050624xf32, #tpu.memory_space<vmem_shared>>) offsets(%arg12 : memref<2048xi32, #tpu.memory_space<vmem>>) semaphore(%run_scoped3A : memref<!tpu.dma_semaphore, #tpu.memory_space<semaphore_mem>>) {add = true}
      %dma_wait3A = arith.constant 0 : i32
      %dma_wait3A_87 = tpu.memref_slice %arg8[%dma_wait3A] : memref<1050624xf32, #tpu.memory_space<vmem_shared>> -> memref<1050624xf32, #tpu.memory_space<vmem_shared>>
      tpu.wait_indirect_dma semaphore(%run_scoped3A : memref<!tpu.dma_semaphore, #tpu.memory_space<semaphore_mem>>) src(%arg11 : memref<2048xf32, #tpu.memory_space<vmem>>) dst(%dma_wait3A_87 : memref<1050624xf32, #tpu.memory_space<vmem_shared>>)
      tpu.yield
    }) : () -> ()
    "tpu.region"() ({
      %run_scoped3A = tpu.sem_alloc : memref<!tpu.dma_semaphore, #tpu.memory_space<semaphore_mem>>
      %dma_start3A = arith.constant 0 : i32
      %dma_start3A_86 = tpu.memref_slice %arg8[%dma_start3A] : memref<1050624xf32, #tpu.memory_space<vmem_shared>> -> memref<1050624xf32, #tpu.memory_space<vmem_shared>>
      tpu.enqueue_indirect_dma source(%arg11 : memref<2048xf32, #tpu.memory_space<vmem>>) target(%dma_start3A_86 : memref<1050624xf32, #tpu.memory_space<vmem_shared>>) offsets(%arg13 : memref<2048xi32, #tpu.memory_space<vmem>>) semaphore(%run_scoped3A : memref<!tpu.dma_semaphore, #tpu.memory_space<semaphore_mem>>) {add = true}
      %dma_wait3A = arith.constant 0 : i32
      %dma_wait3A_87 = tpu.memref_slice %arg8[%dma_wait3A] : memref<1050624xf32, #tpu.memory_space<vmem_shared>> -> memref<1050624xf32, #tpu.memory_space<vmem_shared>>
      tpu.wait_indirect_dma semaphore(%run_scoped3A : memref<!tpu.dma_semaphore, #tpu.memory_space<semaphore_mem>>) src(%arg11 : memref<2048xf32, #tpu.memory_space<vmem>>) dst(%dma_wait3A_87 : memref<1050624xf32, #tpu.memory_space<vmem_shared>>)
      tpu.yield
    }) : () -> ()
    %barrier3A_72 = arith.constant 0 : index
    tpu.barrier barrier_id(%barrier3A_72)
    %mul3A_73 = arith.constant 65536 : i32
    %mul3A_74 = arith.muli %arg1, %mul3A_73 : i32
    %add3A_75 = arith.constant 2097152 : i32
    %add3A_76 = arith.addi %mul3A_2, %add3A_75 : i32
    %mul3A_77 = arith.constant 65536 : i32
    %mul3A_78 = arith.muli %arg1, %mul3A_77 : i32
    %add3A_79 = arith.addi %add3A_76, %mul3A_78 : i32
    "tpu.region"() ({
      %run_scoped3A = tpu.sem_alloc : memref<!tpu.dma_semaphore, #tpu.memory_space<semaphore_mem>>
      %dma_start3A = tpu.memref_slice %arg6[%add3A_79] : memref<6291456xf32, #tpu.memory_space<hbm>> -> memref<65536xf32, #tpu.memory_space<hbm>>
      %dma_start3A_86 = tpu.memref_slice %arg8[%mul3A_74] : memref<1050624xf32, #tpu.memory_space<vmem_shared>> -> memref<65536xf32, #tpu.memory_space<vmem_shared>>
      tpu.enqueue_dma source(%dma_start3A_86 : memref<65536xf32, #tpu.memory_space<vmem_shared>>) target(%dma_start3A : memref<65536xf32, #tpu.memory_space<hbm>>) target_semaphore(%run_scoped3A : memref<!tpu.dma_semaphore, #tpu.memory_space<semaphore_mem>>)
      %dma_wait3A = tpu.memref_slice %arg6[%add3A_79] : memref<6291456xf32, #tpu.memory_space<hbm>> -> memref<65536xf32, #tpu.memory_space<hbm>>
      %dma_wait3A_87 = tpu.memref_slice %arg8[%mul3A_74] : memref<1050624xf32, #tpu.memory_space<vmem_shared>> -> memref<65536xf32, #tpu.memory_space<vmem_shared>>
      tpu.wait_dma2 semaphore(%run_scoped3A : memref<!tpu.dma_semaphore, #tpu.memory_space<semaphore_mem>>) src(%dma_wait3A_87 : memref<65536xf32, #tpu.memory_space<vmem_shared>>) dst(%dma_wait3A : memref<65536xf32, #tpu.memory_space<hbm>>)
      tpu.yield
    }) : () -> ()
    %eq3A_80 = arith.constant 0 : i32
    %eq3A_81 = arith.cmpi eq, %arg1, %eq3A_80 : i32
    %convert_element_type3A_82 = arith.extui %eq3A_81 : i1 to i32
    %cond3A_83 = arith.constant 0 : i32
    %cond3A_84 = arith.cmpi ne, %convert_element_type3A_82, %cond3A_83 : i32
    scf.if %cond3A_84 {
      %add3A_86 = arith.constant 2048 : i32
      %add3A_87 = arith.addi %mul3A_4, %add3A_86 : i32
      "tpu.region"() ({
        %run_scoped3A = tpu.sem_alloc : memref<!tpu.dma_semaphore, #tpu.memory_space<semaphore_mem>>
        %dma_start3A = tpu.memref_slice %arg7[%add3A_87] : memref<6144xf32, #tpu.memory_space<hbm>> -> memref<1024xf32, #tpu.memory_space<hbm>>
        %dma_start3A_88 = arith.constant 1048576 : i32
        %dma_start3A_89 = tpu.memref_slice %arg8[%dma_start3A_88] : memref<1050624xf32, #tpu.memory_space<vmem_shared>> -> memref<1024xf32, #tpu.memory_space<vmem_shared>>
        tpu.enqueue_dma source(%dma_start3A_89 : memref<1024xf32, #tpu.memory_space<vmem_shared>>) target(%dma_start3A : memref<1024xf32, #tpu.memory_space<hbm>>) target_semaphore(%run_scoped3A : memref<!tpu.dma_semaphore, #tpu.memory_space<semaphore_mem>>)
        %dma_wait3A = tpu.memref_slice %arg7[%add3A_87] : memref<6144xf32, #tpu.memory_space<hbm>> -> memref<1024xf32, #tpu.memory_space<hbm>>
        %dma_wait3A_90 = arith.constant 1048576 : i32
        %dma_wait3A_91 = tpu.memref_slice %arg8[%dma_wait3A_90] : memref<1050624xf32, #tpu.memory_space<vmem_shared>> -> memref<1024xf32, #tpu.memory_space<vmem_shared>>
        tpu.wait_dma2 semaphore(%run_scoped3A : memref<!tpu.dma_semaphore, #tpu.memory_space<semaphore_mem>>) src(%dma_wait3A_91 : memref<1024xf32, #tpu.memory_space<vmem_shared>>) dst(%dma_wait3A : memref<1024xf32, #tpu.memory_space<hbm>>)
        tpu.yield
      }) : () -> ()
    } else {
    }
    %barrier3A_85 = arith.constant 0 : index
    tpu.barrier barrier_id(%barrier3A_85)
    return
  }
}

</mosaic_0001>

<sc_bundles>
// kernel: _sc_scatter.3.cloned.1.call-start
scs
__scs_entry_jumppad:
0x0: {  	(pc) =	sbr.rel $0x88, $3  }
0x1: {  	(tag) =	ssettag $0x0;
	lr =	simm.s32 $0x1  }
0x2: {  	[smem:$0x3F9E] =	sst lr;
	_ =	strace $0xD0000000  }
0x3: {  	_ = 	snop  }
0x4: {  	_ = 	snop  }
0x5: {  	_ = 	snop  }
0x6: {  	_ = 	snop  }
0x7: {  	_ = 	snop  }
__scs_overlays_trampoline_lowered:
0x8: {  	[smem:$0x3FAD] =	sst s0  }
0x9: {  	[smem:$0x3FAE] =	sst s1  }
0xa: {  	[smem:$0x3FAF] =	sst s2  }
0xb: {  	[smem:$0x3FB0] =	sst s3  }
0xc: {  	[smem:$0x3FB1] =	sst s4  }
0xd: {  	[smem:$0x3FB2] =	sst s5  }
0xe: {  	[smem:$0x3FB3] =	sst s6  }
0xf: {  	[smem:$0x3FB4] =	sst s7  }
0x10: {  	[smem:$0x3FB5] =	sst s8  }
0x11: {  	[smem:$0x3FB6] =	sst s9;
	s0 =	simm.s32 @!p0 $0x0  }
0x12: {  	s1 =	sld [smem:$0x3F9C];
	s0 =	simm.s32 @p0 $0x1  }
0x13: {  	[smem:$0x3FB7] =	sst s0;
	s0 =	simm.s32 @!p1 $0x0  }
0x14: {  	s2 =	sld [smem:$0x3F9B];
	s0 =	simm.s32 @p1 $0x1  }
0x15: {  	[smem:$0x3FB8] =	sst s0;
	s0 =	simm.s32 @!p2 $0x0  }
0x16: {  	s3 =	sld [smem:$0x3FDB];
	s0 =	simm.s32 @p2 $0x1  }
0x17: {  	s4 =	simm.s32 $0x1BF5;
	[smem:$0x3FBA] =	sst s0  }
0x18: {  	s0 =	sld [smem:$0x3F9D];
	_ =	swait.ge [sflag:s4], $0x0  }
0x19: {  	s7 =	sld [smem:$0x3F9E]  }
0x1a: {  	s8 =	sadd.s32 $0xFFFFE003, lr  }
0x1b: {  	s9 =	sadd.s32 $0xFFFFFEF7, lr;
	s5 =	simm.s32 $0xFFFFFFFF;
	p2 =	slt.u32 s8, $0xFFFFF086  }
0x1c: {  	p1 =	slt.u32 s9, $0xF7A;
	s5 =	simm.s32 @!p2 $0x0  }
0x1d: {  	s5 =	simm.s32 @p1 $0x1;
	p0 =	seq.s32 s7, s2  }
0x1e: {  	s7 =	smul.u32 @!p0 $0xF7A, s2;
	p2 =	seq.s32 @!p0 s5, $0x0  }
0x1f: {  	s9 =	smul.u32 $0xF7A, s1;
	s8 =	simm.s32 @!p0 $0x1BF5;
	p2 =	por !p2, p0  }
0x20: {  	[sflag:s8] =	ssyncset.s32 @!p0 $0xFFFFF086;
	s6 =	sadd.s32 @!p0 s3, s7;
	s7 =	simm.s32 @!p0 $0x108  }
0x21: {  	s3 =	sadd.s32 s3, s9;
	s6 =	sadd.s32 @!p0 $0x88, s6;
	s7 =	simm.s32 @p2 $0x1082  }
0x22: {  	[simem:s7], [sflag:s8] =	dma.local @!p0 [hbm:s6], $0xF7A  }
0x23: {  	s9 =	sor.u32 $0xD0000000, s2;
	s6 =	simm.s32 $0x108;
	_ =	swait.ge @!p0 [sflag:s8], $0x0  }
0x24: {  	s3 =	sadd.s32 $0x88, s3;
	s6 =	simm.s32 @!p1 $0x1082;
	[sflag:s4] =	ssyncset.s32 $0xFFFFF086  }
0x25: {  	[simem:s6], [sflag:s4] =	dma.local [hbm:s3], $0xF7A  }
0x26: {  	[smem:$0x3F9E] =	sst s1;
	(tag) =	ssettag s2;
	_ =	strace s9  }
0x27: {  	s1 =	sld [smem:$0x3FAE]  }
0x28: {  	s2 =	sld [smem:$0x3FAF]  }
0x29: {  	s4 =	sld [smem:$0x3FB1]  }
0x2a: {  	p0 =	seq.s32 s5, $0x0;
	s5 =	sld [smem:$0x3FB2]  }
0x2b: {  	s6 =	sld [smem:$0x3FB3]  }
0x2c: {  	s7 =	sld [smem:$0x3FB4]  }
0x2d: {  	s3 =	simm.s32 $0x108;
	s8 =	sld [smem:$0x3FB5]  }
0x2e: {  	s3 =	simm.s32 @!p0 $0x1082;
	s9 =	sld [smem:$0x3FB6]  }
0x2f: {  	lr =	sadd.s32 s0, s3;
	s0 =	sld [smem:$0x3FAD]  }
0x30: {  	s3 =	sld [smem:$0x3FB0]  }
0x31: {  	[smem:$0x3FB9] =	sst s10  }
0x32: {  	s10 =	sld [smem:$0x3FB7];
	_ =	sdelay $0x3  }
0x33: {  	p0 =	seq.s32 s10, $0x1;
	s10 =	sld [smem:$0x3FB9];
	_ =	sdelay $0x3  }
0x34: {  	[smem:$0x3FB9] =	sst s10  }
0x35: {  	s10 =	sld [smem:$0x3FB8];
	_ =	sdelay $0x3  }
0x36: {  	p1 =	seq.s32 s10, $0x1;
	s10 =	sld [smem:$0x3FB9];
	_ =	sdelay $0x3  }
0x37: {  	[smem:$0x3FB9] =	sst s10  }
0x38: {  	s10 =	sld [smem:$0x3FBA]  }
0x39: {  	_ = 	snop;
	(pc) =	sbr.ind lr, $3  }
0x3a: {  	_ = 	snop  }
0x3b: {  	_ = 	snop  }
0x3c: {  	p2 =	seq.s32 s10, $0x1;
	s10 =	sld [smem:$0x3FB9]  }
0x3d: {  	_ =	shalt  }
0x3e: {  	_ =	shalt  }
0x3f: {  	_ =	shalt  }
0x40: {  	_ =	shalt  }
0x41: {  	_ =	shalt  }
0x42: {  	_ =	shalt  }
0x43: {  	_ =	shalt  }
0x44: {  	_ =	shalt  }
0x45: {  	_ =	shalt  }
0x46: {  	_ =	shalt  }
0x47: {  	_ =	shalt  }
0x48: {  	_ =	shalt  }
0x49: {  	_ =	shalt  }
0x4a: {  	_ =	shalt  }
0x4b: {  	_ =	shalt  }
0x4c: {  	_ =	shalt  }
0x4d: {  	_ =	shalt  }
0x4e: {  	_ =	shalt  }
0x4f: {  	_ =	shalt  }
0x50: {  	_ =	shalt  }
0x51: {  	_ =	shalt  }
0x52: {  	_ =	shalt  }
0x53: {  	_ =	shalt  }
0x54: {  	_ =	shalt  }
0x55: {  	_ =	shalt  }
0x56: {  	_ =	shalt  }
0x57: {  	_ =	shalt  }
0x58: {  	_ =	shalt  }
0x59: {  	_ =	shalt  }
0x5a: {  	_ =	shalt  }
0x5b: {  	_ =	shalt  }
0x5c: {  	_ =	shalt  }
0x5d: {  	_ =	shalt  }
0x5e: {  	_ =	shalt  }
0x5f: {  	_ =	shalt  }
0x60: {  	_ =	shalt  }
0x61: {  	_ =	shalt  }
0x62: {  	_ =	shalt  }
0x63: {  	_ =	shalt  }
0x64: {  	_ =	shalt  }
0x65: {  	_ =	shalt  }
0x66: {  	_ =	shalt  }
0x67: {  	_ =	shalt  }
0x68: {  	_ =	shalt  }
0x69: {  	_ =	shalt  }
0x6a: {  	_ =	shalt  }
0x6b: {  	_ =	shalt  }
0x6c: {  	_ =	shalt  }
0x6d: {  	_ =	shalt  }
0x6e: {  	_ =	shalt  }
0x6f: {  	_ =	shalt  }
0x70: {  	_ =	shalt  }
0x71: {  	_ =	shalt  }
0x72: {  	_ =	shalt  }
0x73: {  	_ =	shalt  }
0x74: {  	_ =	shalt  }
0x75: {  	_ =	shalt  }
0x76: {  	_ =	shalt  }
0x77: {  	_ =	shalt  }
0x78: {  	_ =	shalt  }
0x79: {  	_ =	shalt  }
0x7a: {  	_ =	shalt  }
0x7b: {  	_ =	shalt  }
0x7c: {  	_ =	shalt  }
0x7d: {  	_ =	shalt  }
0x7e: {  	_ =	shalt  }
0x7f: {  	_ =	shalt  }
0x80: {  	_ =	shalt  }
0x81: {  	_ =	shalt  }
0x82: {  	_ =	shalt  }
0x83: {  	_ =	shalt  }
0x84: {  	_ =	shalt  }
0x85: {  	_ =	shalt  }
0x86: {  	_ =	shalt  }
0x87: {  	_ =	shalt  }
.Lfunc_end0:
.L_simem_size_0:
called_computation_lowered:
.L_overlay_start_0:
0x88: {  	s2 =	sld [smem:$0x3FD9]  }
0x89: {  	s3 =	sld [smem:$0x3FFE];
	_ =	sdelay $0x1  }
0x8a: {  	s1 =	srdreg.scid  }
0x8b: {  	s0 =	sand.u32 $0x1, s1  }
0x8c: {  	s14 =	sshll.u32 s0, $0xA;
	s2 =	sadd.s32 s3, s2  }
0x8d: {  	s2 =	sadd.s32 s2, s14  }
0x8e: {  	[smem:$0x3FC5] =	sst s2  }
0x8f: {  	_ = 	snop  }
0x90: {  	s2 =	sld [smem:$0x3FD0]  }
0x91: {  	s15 =	sld [smem:$0x3FC9]  }
0x92: {  	s4 =	sld [smem:$0x3FC8]  }
0x93: {  	s6 =	simm.s32 $0xA;
	s7 =	simm.s32 $0x10;
	s5 =	sld [smem:$0x3FC7]  }
0x94: {  	[smem:s7], [sflag:s6] =	dma.local [hbm:s2], $0x1  }
0x95: {  	_ =	swait.eq [sflag:s6], $0x1  }
0x96: {  	[sflag:s6] =	ssyncset.done $0x0  }
0x97: {  	s16 =	sld [smem:$0x10];
	[sflag:s6] =	ssyncadd.s32 $0xFFFFFFFF  }
0x98: {  	s17 =	sld [smem:$0x11];
	(tm) =	ssettm $0x1  }
0x99: {  	s18 =	sld [smem:$0x3FFB];
	_ =	sdelay $0x3  }
0x9a: {  	_ =	strace s18  }
0x9b: {  	s7 =	sld [smem:$0x3FFC];
	_ =	sdelay $0x3  }
0x9c: {  	_ =	strace s7  }
0x9d: {  	s7 =	sld [smem:$0x3FFD];
	_ =	sdelay $0x3  }
0x9e: {  	_ =	strace s7  }
0x9f: {  	_ =	strace $0x8FFFFFFF  }
0xa0: {  	s19 =	sld [smem:$0x3FDB];
	_ =	sdelay $0x1  }
0xa1: {  	s8 =	simm.s32 $_scs_section_size  }
0xa2: {  	s9 =	simm.s32 $_size__tile_overlayer_lowered;
	s10 =	simm.s32 $_tile_overlayer_lowered  }
0xa3: {  	s22 =	simm.s32 $0x1BFF;
	s21 =	sshll.u32 s10, $0x1;
	s7 =	sadd.s32 s8, s19  }
0xa4: {  	s11 =	simm.s32 $0x0;
	s20 =	sshll.u32 s9, $0x1;
	s9 =	sadd.s32 s21, s7  }
0xa5: {  	[timem:s11], [sflag:s22] =	dma.local [hbm:s9], s20  }
0xa6: {  	_ =	swait.ge [sflag:s22], s20  }
0xa7: {  	s8 =	ssub.s32 $0x0, s20;
	[sflag:s22] =	ssyncset.done $0x0  }
0xa8: {  	[sflag:s22] =	ssyncadd.s32 s8;
	_ =	sdelay $0x1  }
0xa9: {  	s23 =	simm.s32 $0x1B8B  }
0xaa: {  	_ =	swait.ge [sflag:s23], $0x1  }
0xab: {  	[sflag:s23] =	ssyncset.done $0x0  }
0xac: {  	s25 =	simm.s32 $0x1B8E;
	s24 =	sld [smem:$0x3FFE];
	[sflag:s23] =	ssyncadd.s32 $0xFFFFFFFF  }
0xad: {  	s26 =	simm.s32 $execute0_lowered;
	[smem:$0x3FD2] =	sst s25  }
0xae: {  	s9 =	sshll.u32 s26, $0x1;
	_ =	strace $0x80000046;
	[dreg:$0x1] =	wrdreg $0xFFFFFFFF  }
0xaf: {  	s28 =	simm.s32 $_size_execute0_lowered;
	s7 =	sadd.s32 s7, s9;
	[dreg:$0x0] =	wrdreg $0x0  }
0xb0: {  	s9 =	sshll.u32 s28, $0x1;
	[dreg:$0x2] =	wrdreg s7  }
0xb1: {  	[dreg:$0x3] =	wrdreg s9  }
0xb2: {  	[dreg:$0x4] =	wrdreg $0xC0  }
0xb3: {  	_ =	task [dreg:s11], $0x5FFFF  }
0xb4: {  	[dreg:$0x1] =	wrdreg $0xFFFFFFFF  }
0xb5: {  	[dreg:$0x0] =	wrdreg $0x60  }
0xb6: {  	[dreg:$0x2] =	wrdreg s15  }
0xb7: {  	[dreg:$0x3] =	wrdreg s4  }
0xb8: {  	[dreg:$0x4] =	wrdreg s5  }
0xb9: {  	[dreg:$0x5] =	wrdreg s24  }
0xba: {  	[dreg:$0x6] =	wrdreg s16  }
0xbb: {  	[dreg:$0x7] =	wrdreg s17  }
0xbc: {  	[dreg:$0x8] =	wrdreg $0x0  }
0xbd: {  	[dreg:$0x9] =	wrdreg $0x9  }
0xbe: {  	_ =	task.clear_ibuf [dreg:s11], $0xAFFFF;
	_ =	strace $0x90000046  }
0xbf: {  	s29 =	simm.s32 $0x9;
	_ =	strace $0x80000048  }
0xc0: {  	_ =	swait.ge [sflag:s29], $0x1  }
0xc1: {  	[sflag:s29] =	ssyncadd.s32 $0xFFFFFFFF  }
0xc2: {  	_ =	strace $0x90000048  }
0xc3: {  	_ =	sfence  }
0xc4: {  	s30 =	sld [smem:$0x0];
	_ =	sdelay $0x2  }
0xc5: {  	s31 =	sshll.u32 s1, $0xD;
	s1 =	sshrl.u32 s1, $0x2  }
0xc6: {  	s3 =	sand.u32 $0x4000, s31;
	s1 =	sadd.s32 s1, s30  }
0xc7: {  	s0 =	sor.u32 s3, s0;
	s1 =	sshll.u32 s1, $0x11  }
0xc8: {  	s0 =	sor.u32 s1, s0  }
0xc9: {  	s0 =	sadd.s32 $0x8F2B, s0  }
0xca: {  	[sflag:s0] =	ssyncadd.remote.s32 $0x1  }
0xcb: {  	_ =	sfence.sel $0xFFFF  }
0xcc: {  	[dreg:$0x0] =	wrdreg $0xFFFFFFFF;
	(pc) =	sbr.abs _section_cstart, $3  }
0xcd: {  	[dreg:$0x1] =	wrdreg $0xFFFFFFFF  }
0xce: {  	_ =	task.clear_ibuf [dreg:s11], $0x2FFFF;
	_ =	strace $0x9FFFFFFF  }
0xcf: {  	(tm) =	ssettm $0x7FFFFFFF  }
tec
execute0_lowered:
.L_overlay_start_1:
0x0: {  	(tag) =	ssettag $0x1  }
0x1: {  	s0 =	rddreg [dreg:$0x0]  }
0x2: {  	s4 =	rddreg [dreg:$0x1]  }
0x3: {  	s6 =	rddreg [dreg:$0x2]  }
0x4: {  	s3 =	rddreg [dreg:$0x3]  }
0x5: {  	s7 =	rddreg [dreg:$0x4]  }
0x6: {  	s8 =	rddreg [dreg:$0x5]  }
0x7: {  	s1 =	rddreg [dreg:$0x6]  }
0x8: {  	s5 =	srdreg.scid;
	s2 =	simm.s32 $0x0;
	s9 =	stileid.u32  }
0x9: {  	s28 =	simm.s32 $0x11080;
	s29 =	simm.s32 $0x800;
	s30 =	simm.s32 $0x11880  }
0xa: {  	s31 =	simm.s32 $0x12080;
	s5 =	sand.u32 $0x1, s5;
	[smem:$0x7FF] =	sst s2  }
0xb: {  	s12 =	smul.u32 $0x40200, s9;
	s3 =	sadd.s32 $0x600, s3;
	s13 =	sshll.u32 s9, $0xB  }
0xc: {  	s25 =	sshll.u32 s9, $0x6;
	s26 =	sshll.u32 s9, $0x10;
	s21 =	smul.u32 $0x18000, s5  }
0xd: {  	p0 =	sne.s32 s9, $0x0;
	s10 =	ssub.s32 $0x2, s5;
	s22 =	smul.u32 $0x300000, s5  }
0xe: {  	_ =	strace $0x80000047;
	s14 =	smul.u32 $0xC00, s5;
	s11 =	sshrl.u32 s10, $0x1  }
0xf: {  	s5 =	sor.u32 $0x1C01, s25;
	s12 =	sshrl.u32 s12, $0x2;
	s23 =	ssub.s32 s10, s11  }
0x10: {  	s24 =	sadd.s32 s12, s1;
	s15 =	sor.u32 s13, s21;
	s19 =	sor.u32 s26, s22  }
0x11: {  	s20 =	sshrl.u32 s14, $0x3;
	s22 =	sadd.s32 s26, s1;
	s12 =	sadd.s32 $0x100000, s1  }
0x12: {  	[dreg:$0x8] =	wrdreg s24;
	s10 =	sshrl.u32 s15, $0x3;
	s18 =	sshrl.u32 s19, $0x3  }
0x13: {  	s21 =	sadd.s32 $0x8000, s15;
	[dreg:$0xd] =	wrdreg s22;
	s11 =	sadd.s32 s8, s20  }
0x14: {  	s26 =	sadd.s32 $0x200000, s19;
	s23 =	smax.u32 s23, $0x1;
	s16 =	sadd.s32 s0, s10  }
0x15: {  	s17 =	sadd.s32 s4, s10;
	s10 =	sadd.s32 s6, s10;
	[dreg:$0x9] =	wrdreg s16  }
0x16: {  	s24 =	sshrl.u32 s21, $0x3;
	s22 =	sadd.s32 $0x100, s11;
	[dreg:$0xa] =	wrdreg s17  }
0x17: {  	[dreg:$0xb] =	wrdreg s10;
	s10 =	sadd.s32 s7, s18;
	s13 =	sadd.s32 s0, s24  }
0x18: {  	s16 =	sadd.s32 $0x100000, s19;
	s14 =	sadd.s32 s4, s24;
	s17 =	sadd.s32 $0x10000, s15  }
0x19: {  	s15 =	sadd.s32 s6, s24;
	s24 =	simm.s32 $0x1;
	[dreg:$0xc] =	wrdreg s10  }
0x1a: {  	s16 =	sshrl.u32 s16, $0x3;
	s25 =	sshrl.u32 s17, $0x3;
	s17 =	sadd.s32 $0x80, s11  }
0x1b: {  	s16 =	sadd.s32 s7, s16;
	s18 =	sadd.s32 s0, s25;
	s19 =	sadd.s32 s4, s25  }
0x1c: {  	s20 =	sadd.s32 s6, s25;
	s0 =	sshrl.u32 s26, $0x3;
	s25 =	simm.s32 $0x10080  }
0x1d: {  	s26 =	simm.s32 $0x10880;
	s21 =	sadd.s32 s7, s0;
	s0 =	simm.s32 $0x0  }
.LBB2_1:
0x1e: {  	s4 =	rddreg [dreg:$0x8]  }
0x1f: {  	s4 =	sshrl.u32 s4, $0x3  }
0x20: {  	[spmem:s4], [sflag:s5] =	dma.local [hbm:s3], $0x2010  }
0x21: {  	_ =	swait.ge [sflag:s24], $0x2010  }
0x22: {  	[sflag:s24] =	ssyncset.done $0x0  }
0x23: {  	s6 =	rddreg [dreg:$0x9];
	[sflag:s24] =	ssyncadd.s32 $0xFFFFDFF0  }
0x24: {  	[tilespmem:s25], [sflag:$0x1] =	stream.linear.gather [hbm4b:s6+s2], $0x800, $0x38;
	[tilespmem:$0x12880] =	vst v63  }
0x25: {  	_ =	swait.ge [sflag:s24], $0x800  }
0x26: {  	[sflag:s24] =	ssyncset.done $0x0  }
0x27: {  	s9 =	rddreg [dreg:$0xa];
	[sflag:s24] =	ssyncadd.s32 $0xFFFFF800  }
0x28: {  	[tilespmem:s26], [sflag:$0x1] =	stream.linear.gather [hbm4b:s9+s2], $0x800, $0x38;
	[tilespmem:$0x12880] =	vst v63  }
0x29: {  	_ =	swait.ge [sflag:s24], $0x800  }
0x2a: {  	[sflag:s24] =	ssyncset.done $0x0  }
0x2b: {  	s10 =	rddreg [dreg:$0xb];
	[sflag:s24] =	ssyncadd.s32 $0xFFFFF800  }
0x2c: {  	[tilespmem:s28], [sflag:$0x1] =	stream.linear.gather [hbm4b:s10+s2], $0x800, $0x38;
	[tilespmem:$0x12880] =	vst v63  }
0x2d: {  	_ =	swait.ge [sflag:s24], $0x800  }
0x2e: {  	[sflag:s24] =	ssyncset.done $0x0  }
0x2f: {  	s6 =	simm.s32 $0x0;
	[sflag:s24] =	ssyncadd.s32 $0xFFFFF800  }
0x30: {  	v0 =	vld [tilespmem:s6+$0x10880]  }
0x31: {  	v1 =	vld [tilespmem:s6+$0x10080];
	_ =	sdelay $0x1  }
0x32: {  	s7 =	simm.s32 $0x40  }
.LBB2_2:
0x33: {  	p1 =	sne.s32 s7, $0x1FC0  }
.Ltmp0:
0x34: {  	s8 =	sshra.s32 s7, $0x2;
	s7 =	sadd.s32 $0x40, s7;
	v2 =	vshll.u32 v0, $0xA;
	v3 =	vadd.s32 $0x100000, v0;
	v4 =	vmov v0;
	(pc) =	sbr.rel @p1 .LBB2_2-.Ltmp0, $4  }
0x35: {  	v0 =	vld [tilespmem:s8+$0x10880];
	v2 =	vand.u32 $0xFFFE0000, v2;
	v5 =	vshll.u32 v1, $0x7;
	[tilespmem:s6+$0x12080] =	vst v3  }
0x36: {  	v3 =	vand.u32 $0x7F, v4;
	v1 =	vld [tilespmem:s8+$0x10080];
	v2 =	vadd.s32 v5, v2  }
0x37: {  	v2 =	vor.u32 v3, v2  }
0x38: {  	[tilespmem:s6+$0x11880] =	vst v2;
	s6 =	smov.u32 s8  }
0x39: {  	_ = 	snop  }
0x3a: {  	v2 =	vshll.u32 v0, $0xA  }
0x3b: {  	v2 =	vand.u32 $0xFFFE0000, v2;
	v1 =	vshll.u32 v1, $0x7  }
0x3c: {  	v3 =	vadd.s32 $0x100000, v0;
	v0 =	vand.u32 $0x7F, v0;
	v1 =	vadd.s32 v1, v2  }
0x3d: {  	[tilespmem:s6+$0x12080] =	vst v3;
	v0 =	vor.u32 v0, v1  }
0x3e: {  	[tilespmem:s6+$0x11880] =	vst v0  }
0x3f: {  	[bflag:$0x0] =	sbarrier.arrive $0xFFFF  }
0x40: {  	[spmem:s1] =	stream.indirect.scatter.add.f32 [tilespmem:s28], [sflag:$0x1], $0x1, s30, s29, $0xb8;
	[tilespmem:$0x12880] =	vst v63  }
0x41: {  	_ =	swait.ge [sflag:s24], $0x800  }
0x42: {  	[sflag:s24] =	ssyncset.done $0x0  }
0x43: {  	[sflag:s24] =	ssyncadd.s32 $0xFFFFF800  }
0x44: {  	[spmem:s1] =	stream.indirect.scatter.add.f32 [tilespmem:s28], [sflag:$0x1], $0x1, s31, s29, $0xb8;
	[tilespmem:$0x12880] =	vst v63  }
0x45: {  	_ =	swait.ge [sflag:s24], $0x800  }
0x46: {  	[sflag:s24] =	ssyncset.done $0x0  }
0x47: {  	[sflag:s24] =	ssyncadd.s32 $0xFFFFF800  }
0x48: {  	[bflag:$0x0] =	sbarrier.arrive $0xFFFF  }
0x49: {  	s9 =	rddreg [dreg:$0xd]  }
0x4a: {  	s7 =	rddreg [dreg:$0xc];
	s6 =	sshrl.u32 s9, $0x3  }
0x4b: {  	[hbm:s7], [sflag:s5] =	dma.local [spmem:s6], $0x2000  }
0x4c: {  	_ =	swait.ge [sflag:s24], $0x2000  }
0x4d: {  	[sflag:s24] =	ssyncset.done $0x0  }
0x4e: {  	s8 =	simm.s32 @!p0 $0x1;
	s7 =	sshrl.u32 @!p0 s12, $0x3;
	[sflag:s24] =	ssyncadd.s32 $0xFFFFE000  }
0x4f: {  	[hbm:s11], [sflag:s5] =	dma.local @!p0 [spmem:s7], $0x80  }
0x50: {  	_ =	swait.ge @!p0 [sflag:s8], $0x80  }
0x51: {  	[sflag:s8] =	ssyncset.done @!p0 $0x0  }
0x52: {  	[sflag:s8] =	ssyncadd.s32 @!p0 $0xFFFFFF80  }
0x53: {  	[bflag:$0x0] =	sbarrier.arrive $0xFFFF  }
0x54: {  	[spmem:s4], [sflag:s5] =	dma.local [hbm:s3], $0x2010  }
0x55: {  	_ =	swait.ge [sflag:s24], $0x2010  }
0x56: {  	[sflag:s24] =	ssyncset.done $0x0  }
0x57: {  	s10 =	simm.s32 $0x0;
	[sflag:s24] =	ssyncadd.s32 $0xFFFFDFF0  }
0x58: {  	[tilespmem:s25], [sflag:$0x1] =	stream.linear.gather [hbm4b:s13+s10], $0x800, $0x38;
	[tilespmem:$0x12880] =	vst v63  }
0x59: {  	_ =	swait.ge [sflag:s24], $0x800  }
0x5a: {  	[sflag:s24] =	ssyncset.done $0x0  }
0x5b: {  	[sflag:s24] =	ssyncadd.s32 $0xFFFFF800  }
0x5c: {  	[tilespmem:s26], [sflag:$0x1] =	stream.linear.gather [hbm4b:s14+s10], $0x800, $0x38;
	[tilespmem:$0x12880] =	vst v63  }
0x5d: {  	_ =	swait.ge [sflag:s24], $0x800  }
0x5e: {  	[sflag:s24] =	ssyncset.done $0x0  }
0x5f: {  	[sflag:s24] =	ssyncadd.s32 $0xFFFFF800  }
0x60: {  	[tilespmem:s28], [sflag:$0x1] =	stream.linear.gather [hbm4b:s15+s10], $0x800, $0x38;
	[tilespmem:$0x12880] =	vst v63  }
0x61: {  	_ =	swait.ge [sflag:s24], $0x800  }
0x62: {  	[sflag:s24] =	ssyncset.done $0x0  }
0x63: {  	s8 =	simm.s32 $0x0;
	[sflag:s24] =	ssyncadd.s32 $0xFFFFF800  }
0x64: {  	v0 =	vld [tilespmem:s8+$0x10880]  }
0x65: {  	v1 =	vld [tilespmem:s8+$0x10080];
	_ =	sdelay $0x1  }
0x66: {  	s9 =	simm.s32 $0x40  }
.LBB2_4:
0x67: {  	p1 =	sne.s32 s9, $0x1FC0  }
.Ltmp1:
0x68: {  	s10 =	sshra.s32 s9, $0x2;
	s9 =	sadd.s32 $0x40, s9;
	v2 =	vshll.u32 v0, $0xA;
	v3 =	vadd.s32 $0x100000, v0;
	v4 =	vmov v0;
	(pc) =	sbr.rel @p1 .LBB2_4-.Ltmp1, $4  }
0x69: {  	v0 =	vld [tilespmem:s10+$0x10880];
	v2 =	vand.u32 $0xFFFE0000, v2;
	v5 =	vshll.u32 v1, $0x7;
	[tilespmem:s8+$0x12080] =	vst v3  }
0x6a: {  	v3 =	vand.u32 $0x7F, v4;
	v1 =	vld [tilespmem:s10+$0x10080];
	v2 =	vadd.s32 v5, v2  }
0x6b: {  	v2 =	vor.u32 v3, v2  }
0x6c: {  	[tilespmem:s8+$0x11880] =	vst v2;
	s8 =	smov.u32 s10  }
0x6d: {  	_ = 	snop  }
0x6e: {  	v2 =	vshll.u32 v0, $0xA  }
0x6f: {  	v2 =	vand.u32 $0xFFFE0000, v2;
	v1 =	vshll.u32 v1, $0x7  }
0x70: {  	v3 =	vadd.s32 $0x100000, v0;
	v0 =	vand.u32 $0x7F, v0;
	v1 =	vadd.s32 v1, v2  }
0x71: {  	[tilespmem:s8+$0x12080] =	vst v3;
	v0 =	vor.u32 v0, v1  }
0x72: {  	[tilespmem:s8+$0x11880] =	vst v0  }
0x73: {  	[bflag:$0x0] =	sbarrier.arrive $0xFFFF  }
0x74: {  	[spmem:s1] =	stream.indirect.scatter.add.f32 [tilespmem:s28], [sflag:$0x1], $0x1, s30, s29, $0xb8;
	[tilespmem:$0x12880] =	vst v63  }
0x75: {  	_ =	swait.ge [sflag:s24], $0x800  }
0x76: {  	[sflag:s24] =	ssyncset.done $0x0  }
0x77: {  	[sflag:s24] =	ssyncadd.s32 $0xFFFFF800  }
0x78: {  	[spmem:s1] =	stream.indirect.scatter.add.f32 [tilespmem:s28], [sflag:$0x1], $0x1, s31, s29, $0xb8;
	[tilespmem:$0x12880] =	vst v63  }
0x79: {  	_ =	swait.ge [sflag:s24], $0x800  }
0x7a: {  	[sflag:s24] =	ssyncset.done $0x0  }
0x7b: {  	[sflag:s24] =	ssyncadd.s32 $0xFFFFF800  }
0x7c: {  	[bflag:$0x0] =	sbarrier.arrive $0xFFFF  }
0x7d: {  	[hbm:s16], [sflag:s5] =	dma.local [spmem:s6], $0x2000  }
0x7e: {  	_ =	swait.ge [sflag:s24], $0x2000  }
0x7f: {  	[sflag:s24] =	ssyncset.done $0x0  }
0x80: {  	s8 =	simm.s32 @!p0 $0x1;
	[sflag:s24] =	ssyncadd.s32 $0xFFFFE000  }
0x81: {  	[hbm:s17], [sflag:s5] =	dma.local @!p0 [spmem:s7], $0x80  }
0x82: {  	_ =	swait.ge @!p0 [sflag:s8], $0x80  }
0x83: {  	[sflag:s8] =	ssyncset.done @!p0 $0x0  }
0x84: {  	[sflag:s8] =	ssyncadd.s32 @!p0 $0xFFFFFF80  }
0x85: {  	[bflag:$0x0] =	sbarrier.arrive $0xFFFF  }
0x86: {  	[spmem:s4], [sflag:s5] =	dma.local [hbm:s3], $0x2010  }
0x87: {  	_ =	swait.ge [sflag:s24], $0x2010  }
0x88: {  	[sflag:s24] =	ssyncset.done $0x0  }
0x89: {  	s10 =	simm.s32 $0x0;
	[sflag:s24] =	ssyncadd.s32 $0xFFFFDFF0  }
0x8a: {  	[tilespmem:s25], [sflag:$0x1] =	stream.linear.gather [hbm4b:s18+s10], $0x800, $0x38;
	[tilespmem:$0x12880] =	vst v63  }
0x8b: {  	_ =	swait.ge [sflag:s24], $0x800  }
0x8c: {  	[sflag:s24] =	ssyncset.done $0x0  }
0x8d: {  	[sflag:s24] =	ssyncadd.s32 $0xFFFFF800  }
0x8e: {  	[tilespmem:s26], [sflag:$0x1] =	stream.linear.gather [hbm4b:s19+s10], $0x800, $0x38;
	[tilespmem:$0x12880] =	vst v63  }
0x8f: {  	_ =	swait.ge [sflag:s24], $0x800  }
0x90: {  	[sflag:s24] =	ssyncset.done $0x0  }
0x91: {  	[sflag:s24] =	ssyncadd.s32 $0xFFFFF800  }
0x92: {  	[tilespmem:s28], [sflag:$0x1] =	stream.linear.gather [hbm4b:s20+s10], $0x800, $0x38;
	[tilespmem:$0x12880] =	vst v63  }
0x93: {  	_ =	swait.ge [sflag:s24], $0x800  }
0x94: {  	[sflag:s24] =	ssyncset.done $0x0  }
0x95: {  	s4 =	simm.s32 $0x0;
	[sflag:s24] =	ssyncadd.s32 $0xFFFFF800  }
0x96: {  	v0 =	vld [tilespmem:s4+$0x10880]  }
0x97: {  	v1 =	vld [tilespmem:s4+$0x10080];
	_ =	sdelay $0x1  }
0x98: {  	s8 =	simm.s32 $0x40  }
.LBB2_6:
0x99: {  	p1 =	sne.s32 s8, $0x1FC0  }
.Ltmp2:
0x9a: {  	s9 =	sshra.s32 s8, $0x2;
	s8 =	sadd.s32 $0x40, s8;
	v2 =	vshll.u32 v0, $0xA;
	v3 =	vadd.s32 $0x100000, v0;
	v4 =	vmov v0;
	(pc) =	sbr.rel @p1 .LBB2_6-.Ltmp2, $4  }
0x9b: {  	v0 =	vld [tilespmem:s9+$0x10880];
	v2 =	vand.u32 $0xFFFE0000, v2;
	v5 =	vshll.u32 v1, $0x7;
	[tilespmem:s4+$0x12080] =	vst v3  }
0x9c: {  	v3 =	vand.u32 $0x7F, v4;
	v1 =	vld [tilespmem:s9+$0x10080];
	v2 =	vadd.s32 v5, v2  }
0x9d: {  	v2 =	vor.u32 v3, v2  }
0x9e: {  	[tilespmem:s4+$0x11880] =	vst v2;
	s4 =	smov.u32 s9  }
0x9f: {  	_ = 	snop  }
0xa0: {  	v2 =	vshll.u32 v0, $0xA  }
0xa1: {  	v2 =	vand.u32 $0xFFFE0000, v2;
	v1 =	vshll.u32 v1, $0x7  }
0xa2: {  	v3 =	vadd.s32 $0x100000, v0;
	v63 =	vand.u32 $0x7F, v0;
	v1 =	vadd.s32 v1, v2  }
0xa3: {  	[tilespmem:s4+$0x12080] =	vst v3;
	v0 =	vor.u32 v63, v1  }
0xa4: {  	[tilespmem:s4+$0x11880] =	vst v0  }
0xa5: {  	[bflag:$0x0] =	sbarrier.arrive $0xFFFF  }
0xa6: {  	[spmem:s1] =	stream.indirect.scatter.add.f32 [tilespmem:s28], [sflag:$0x1], $0x1, s30, s29, $0xb8;
	[tilespmem:$0x12880] =	vst v63  }
0xa7: {  	_ =	swait.ge [sflag:s24], $0x800  }
0xa8: {  	[sflag:s24] =	ssyncset.done $0x0  }
0xa9: {  	[sflag:s24] =	ssyncadd.s32 $0xFFFFF800  }
0xaa: {  	[spmem:s1] =	stream.indirect.scatter.add.f32 [tilespmem:s28], [sflag:$0x1], $0x1, s31, s29, $0xb8;
	[tilespmem:$0x12880] =	vst v63  }
0xab: {  	_ =	swait.ge [sflag:s24], $0x800  }
0xac: {  	[sflag:s24] =	ssyncset.done $0x0  }
0xad: {  	[sflag:s24] =	ssyncadd.s32 $0xFFFFF800  }
0xae: {  	[bflag:$0x0] =	sbarrier.arrive $0xFFFF  }
0xaf: {  	[hbm:s21], [sflag:s5] =	dma.local [spmem:s6], $0x2000  }
0xb0: {  	_ =	swait.ge [sflag:s24], $0x2000  }
0xb1: {  	s0 =	sadd.s32 $0x1, s0;
	[sflag:s24] =	ssyncset.done $0x0  }
0xb2: {  	p1 =	sne.s32 s0, s23;
	s4 =	simm.s32 @!p0 $0x1;
	[sflag:s24] =	ssyncadd.s32 $0xFFFFE000  }
0xb3: {  	[hbm:s22], [sflag:s5] =	dma.local @!p0 [spmem:s7], $0x80  }
.Ltmp3:
0xb4: {  	_ =	swait.ge @!p0 [sflag:s4], $0x80;
	(pc) =	sbr.rel @p1 .LBB2_1-.Ltmp3, $3  }
0xb5: {  	[sflag:s4] =	ssyncset.done @!p0 $0x0  }
0xb6: {  	[sflag:s4] =	ssyncadd.s32 @!p0 $0xFFFFFF80  }
0xb7: {  	[bflag:$0x0] =	sbarrier.arrive $0xFFFF;
	_ =	sdelay $0x1  }
0xb8: {  	_ =	sfence.sel $0x180000  }
0xb9: {  	[bflag:$0x0] =	sbarrier.arrive $0xFFFF  }
0xba: {  	_ =	strace $0x90000047  }
0xbb: {  	[bflag:$0x2] =	sbarrier.arrive $0xFFFF  }
0xbc: {  	s0 =	rddreg [dreg:$0x7]  }
0xbd: {  	s0 =	sadd.s32 @!p0 $0x100000, s0  }
0xbe: {  	[sflag:s0] =	ssyncadd.tile.s32 @!p0 $0x1;
	_ =	shalt  }
.Lfunc_end2:
_tile_overlayer_lowered:
.L_overlay_start_2:
0xbf: {  	(tag) =	ssettag $0x2  }
0xc0: {  	s0 =	rddreg [dreg:$0x0];
	s2 =	stileid.u32  }
0xc1: {  	s1 =	rddreg [dreg:$0x1];
	p0 =	sne.s32 s2, $0x0  }
0xc2: {  	s3 =	rddreg [dreg:$0x2];
	[bflag:$0x3] =	sbarrier.arrive $0xFFFF;
	s2 =	simm.s32 @!p0 $0x1C01  }
0xc3: {  	[timem:s3], [sflag:s2] =	dma.local @!p0 [hbm:s0], s1  }
0xc4: {  	s0 =	simm.s32 @!p0 $0x1  }
0xc5: {  	_ =	swait.ge @!p0 [sflag:s0], s1  }
0xc6: {  	s1 =	ssub.s32 @!p0 $0x0, s1;
	[sflag:s0] =	ssyncset.done @!p0 $0x0  }
0xc7: {  	[sflag:s0] =	ssyncadd.s32 @!p0 s1  }
0xc8: {  	[bflag:$0x3] =	sbarrier.arrive $0xFFFF  }
0xc9: {  	_ =	shalt  }

</sc_bundles>
